<compile_context>
chip_gen: v7x
topology: tpu7x:2x2x1
jax: 0.10.2.dev20260603
libtpu: 0.0.44.dev20260713+nightly
codegen_flags: <defaults>
</compile_context>

<pallas_src>
import jax
import jax.numpy as jnp
from jax import lax
from jax.experimental import pallas as pl
from jax.experimental.pallas import tpu as pltpu
from jax.experimental.pallas import tpu_sc as plsc

B, T = 4096, 200
N = B * T
LOC_DIM = 64
SMALL_DIM = 48
OUT_DIM = LOC_DIM + SMALL_DIM

NC, NS = 2, 16
NW = NC * NS
SEG = 128
SEGS_PER_CHUNK = 4
CHUNK = SEG * SEGS_PER_CHUNK
PER_W = N // NW
CHUNKS_PER_W = PER_W // CHUNK
PAIRS_PER_W = CHUNKS_PER_W // 2
ROWS_PER_W = PER_W // SEG


def _sc_kernel(src_h, week_h, hour_h, dur_h, loc_t, small_t, out_h,
               src_a, week_a, hour_a, dur_a, sidx_a, loc_rows_a, small_rows_a,
               src_b, week_b, hour_b, dur_b, sidx_b, loc_rows_b, small_rows_b,
               isem_a, isem_b, gsem_a, gsem_b, wsem_a, wsem_b):
    wid = lax.axis_index("s") * NC + lax.axis_index("c")
    row0 = wid * ROWS_PER_W

    slot_a = (src_a, week_a, hour_a, dur_a, sidx_a, loc_rows_a, small_rows_a,
              isem_a, gsem_a, wsem_a)
    slot_b = (src_b, week_b, hour_b, dur_b, sidx_b, loc_rows_b, small_rows_b,
              isem_b, gsem_b, wsem_b)

    def stage_idx(ci, slot):
        src_v, week_v, hour_v, dur_v = slot[0], slot[1], slot[2], slot[3]
        isem = slot[7]
        r = row0 + ci * SEGS_PER_CHUNK
        pltpu.async_copy(src_h.at[pl.ds(r, SEGS_PER_CHUNK)], src_v, isem)
        pltpu.async_copy(week_h.at[pl.ds(r, SEGS_PER_CHUNK)], week_v, isem)
        pltpu.async_copy(hour_h.at[pl.ds(r, SEGS_PER_CHUNK)], hour_v, isem)
        pltpu.async_copy(dur_h.at[pl.ds(r, SEGS_PER_CHUNK)], dur_v, isem)

    def wait_idx(slot):
        src_v, week_v, hour_v, dur_v = slot[0], slot[1], slot[2], slot[3]
        isem = slot[7]
        for v in (src_v, week_v, hour_v, dur_v):
            pltpu.make_async_copy(src_h.at[pl.ds(0, SEGS_PER_CHUNK)], v, isem).wait()

    def wait_writes(ci, slot):
        loc_rows, small_rows, wsem = slot[5], slot[6], slot[9]
        tok0 = (row0 + ci * SEGS_PER_CHUNK) * SEG
        rows = pl.ds(tok0, CHUNK)
        pltpu.make_async_copy(loc_rows, out_h.at[rows, pl.ds(0, LOC_DIM)], wsem).wait()
        pltpu.make_async_copy(small_rows, out_h.at[rows, pl.ds(LOC_DIM, SMALL_DIM)], wsem).wait()

    def process(ci, slot):
        (src_v, week_v, hour_v, dur_v, sidx_v, loc_rows, small_rows,
         isem, gsem, wsem) = slot
        for j in range(SEGS_PER_CHUNK):
            def fuse(k, carry):
                d = pl.ds(k * 16, 16)
                sidx_v[j, d] = (week_v[j, d] * 576 + hour_v[j, d] * 24
                                + dur_v[j, d])
                return carry
            lax.fori_loop(0, SEG // 16, fuse, 0)
        cps = []
        for j in range(SEGS_PER_CHUNK):
            d = pl.ds(j * SEG, SEG)
            cps.append(pltpu.async_copy(loc_t.at[src_v.at[j]], loc_rows.at[d], gsem))
            cps.append(pltpu.async_copy(small_t.at[sidx_v.at[j]], small_rows.at[d], gsem))
        for c in cps:
            c.wait()
        tok0 = (row0 + ci * SEGS_PER_CHUNK) * SEG
        rows = pl.ds(tok0, CHUNK)
        pltpu.async_copy(loc_rows, out_h.at[rows, pl.ds(0, LOC_DIM)], wsem)
        pltpu.async_copy(small_rows, out_h.at[rows, pl.ds(LOC_DIM, SMALL_DIM)], wsem)

    stage_idx(0, slot_a)

    def pair_body(k, carry):
        ca = 2 * k
        cb = 2 * k + 1
        pl.when(k > 0)(lambda: wait_writes(ca - 2, slot_a))
        wait_idx(slot_a)
        stage_idx(cb, slot_b)
        process(ca, slot_a)
        pl.when(k > 0)(lambda: wait_writes(cb - 2, slot_b))
        wait_idx(slot_b)
        pl.when(k < PAIRS_PER_W - 1)(lambda: stage_idx(cb + 1, slot_a))
        process(cb, slot_b)
        return carry

    lax.fori_loop(0, PAIRS_PER_W, pair_body, 0)
    wait_writes(CHUNKS_PER_W - 2, slot_a)
    wait_writes(CHUNKS_PER_W - 1, slot_b)


def kernel(src, week, hour, duration, loc_table, week_table, hour_table, duration_table):
    src2 = src.reshape(N // SEG, SEG).astype(jnp.int32)
    week2 = week.reshape(N // SEG, SEG).astype(jnp.int32)
    hour2 = hour.reshape(N // SEG, SEG).astype(jnp.int32)
    dur2 = duration.reshape(N // SEG, SEG).astype(jnp.int32)

    fused = jnp.concatenate([
        jnp.broadcast_to(week_table[:, None, None, :], (7, 24, 24, 16)),
        jnp.broadcast_to(hour_table[None, :, None, :], (7, 24, 24, 16)),
        jnp.broadcast_to(duration_table[None, None, :, :], (7, 24, 24, 16)),
    ], axis=-1).reshape(7 * 24 * 24, SMALL_DIM)

    mesh = plsc.VectorSubcoreMesh(core_axis_name="c", subcore_axis_name="s",
                                  num_cores=NC, num_subcores=NS)
    idx_t = pltpu.VMEM((SEGS_PER_CHUNK, SEG), jnp.int32)
    run = pl.kernel(
        _sc_kernel,
        out_type=jax.ShapeDtypeStruct((N, 128), jnp.float32),
        mesh=mesh,
        compiler_params=pltpu.CompilerParams(use_tc_tiling_on_sc=False),
        scratch_types=(
            [idx_t] * 5 + [pltpu.VMEM((CHUNK, LOC_DIM), jnp.float32),
                           pltpu.VMEM((CHUNK, SMALL_DIM), jnp.float32)]
        ) * 2 + [pltpu.SemaphoreType.DMA] * 6,
    )
    out = run(src2, week2, hour2, dur2, loc_table, fused)
    return out[:, :OUT_DIM].reshape(B, T, OUT_DIM)

# --- scband reference (transcript-rebuilt; emitter-appended) ---
"""Pipeline reference for scband-hierembedding-49615462204023 (READ-ONLY COPY).

The authoritative reference and input builder live on the scoring server;
editing this copy changes nothing except your own understanding.
"""

import jax, jax.numpy as jnp
import numpy as np

B, T = 4096, 200
V = 1000000
LOC_DIM = 64  # sum of [32, 16, 16]
WEEK_DIM = 16
HOUR_DIM = 16
DUR_DIM = 16


def setup_inputs(seed: int = 0) -> dict:
    key = jax.random.key(seed)
    ks = jax.random.split(key, 8)
    src = jax.random.randint(ks[0], (B, T), 0, V, dtype=jnp.int64) if jax.config.jax_enable_x64 else jax.random.randint(ks[0], (B, T), 0, V).astype(jnp.int32)
    week = jax.random.randint(ks[1], (B, T), 0, 7).astype(src.dtype)
    hour = jax.random.randint(ks[2], (B, T), 0, 24).astype(src.dtype)
    duration = jax.random.randint(ks[3], (B, T), 0, 24).astype(src.dtype)
    loc_table = (jax.random.normal(ks[4], (V, LOC_DIM), dtype=jnp.float32) * 0.02)
    week_table = (jax.random.normal(ks[5], (7, WEEK_DIM), dtype=jnp.float32) * 0.02)
    hour_table = (jax.random.normal(ks[6], (24, HOUR_DIM), dtype=jnp.float32) * 0.02)
    duration_table = (jax.random.normal(ks[7], (24, DUR_DIM), dtype=jnp.float32) * 0.02)
    return {
        "src": src,
        "week": week,
        "hour": hour,
        "duration": duration,
        "loc_table": loc_table,
        "week_table": week_table,
        "hour_table": hour_table,
        "duration_table": duration_table,
    }


def reference(src, week, hour, duration, loc_table, week_table, hour_table, duration_table):
    # HIERSpatialEmbedding.forward is a plain embedding lookup on the
    # concatenated-per-level table (the hierarchy only matters for the
    # out-of-forward hierarchical_avg weight post-processing).
    token_emb = jnp.take(loc_table, src, axis=0)          # (B, T, 64)
    week_emb = jnp.take(week_table, week, axis=0)          # (B, T, 16)
    hour_emb = jnp.take(hour_table, hour, axis=0)          # (B, T, 16)
    duration_emb = jnp.take(duration_table, duration, axis=0)  # (B, T, 16)
    out = jnp.concatenate([token_emb, week_emb, hour_emb, duration_emb], axis=-1)
    # Dropout in eval mode is the identity.
    return out

if __name__ == "__main__":
    import jax
    _d = setup_inputs()
    print(jax.jit(kernel)(*tuple(_d.values())))

</pallas_src>

<mosaic_0001>
#map = affine_map<(d0, d1) -> (0, 0)>
module attributes {stable_mosaic.version = 14 : i64} {
  func.func @_sc_kernel(%arg0: i32, %arg1: i32, %arg2: memref<6400x128xi32, #tpu.memory_space<hbm>>, %arg3: memref<6400x128xi32, #tpu.memory_space<hbm>>, %arg4: memref<6400x128xi32, #tpu.memory_space<hbm>>, %arg5: memref<6400x128xi32, #tpu.memory_space<hbm>>, %arg6: memref<1000000x64xf32, #tpu.memory_space<hbm>>, %arg7: memref<4032x48xf32, #tpu.memory_space<hbm>>, %arg8: memref<819200x128xf32, #tpu.memory_space<hbm>>, %arg9: memref<4x128xi32, #tpu.memory_space<vmem>>, %arg10: memref<4x128xi32, #tpu.memory_space<vmem>>, %arg11: memref<4x128xi32, #tpu.memory_space<vmem>>, %arg12: memref<4x128xi32, #tpu.memory_space<vmem>>, %arg13: memref<4x128xi32, #tpu.memory_space<vmem>>, %arg14: memref<512x64xf32, #tpu.memory_space<vmem>>, %arg15: memref<512x48xf32, #tpu.memory_space<vmem>>, %arg16: memref<4x128xi32, #tpu.memory_space<vmem>>, %arg17: memref<4x128xi32, #tpu.memory_space<vmem>>, %arg18: memref<4x128xi32, #tpu.memory_space<vmem>>, %arg19: memref<4x128xi32, #tpu.memory_space<vmem>>, %arg20: memref<4x128xi32, #tpu.memory_space<vmem>>, %arg21: memref<512x64xf32, #tpu.memory_space<vmem>>, %arg22: memref<512x48xf32, #tpu.memory_space<vmem>>, %arg23: memref<!tpu.dma_semaphore, #tpu.memory_space<semaphore_mem>>, %arg24: memref<!tpu.dma_semaphore, #tpu.memory_space<semaphore_mem>>, %arg25: memref<!tpu.dma_semaphore, #tpu.memory_space<semaphore_mem>>, %arg26: memref<!tpu.dma_semaphore, #tpu.memory_space<semaphore_mem>>, %arg27: memref<!tpu.dma_semaphore, #tpu.memory_space<semaphore_mem>>, %arg28: memref<!tpu.dma_semaphore, #tpu.memory_space<semaphore_mem>>) attributes {dimension_semantics = [#tpu.dimension_semantics<core_parallel>, #tpu.dimension_semantics<subcore_parallel>], iteration_bounds = array<i64: 2, 16>, scalar_prefetch = 0 : i64, scratch_operands = 20 : i64, tpu.core_type = #tpu.core_type<sc_vector_subcore>, window_params = [{transform_indices = #map}, {transform_indices = #map}, {transform_indices = #map}, {transform_indices = #map}, {transform_indices = #map}, {transform_indices = #map}, {transform_indices = #map}]} {
    %mul3A = arith.constant 2 : i32
    %mul3A_0 = arith.muli %arg1, %mul3A : i32
    %add3A = arith.addi %mul3A_0, %arg0 : i32
    %mul3A_1 = arith.constant 200 : i32
    %mul3A_2 = arith.muli %add3A, %mul3A_1 : i32
    %add3A_3 = arith.constant 0 : i32
    %add3A_4 = arith.addi %mul3A_2, %add3A_3 : i32
    %dma_start3A = arith.constant 0 : i32
    %dma_start3A_5 = tpu.memref_slice %arg2[%add3A_4, %dma_start3A] : memref<6400x128xi32, #tpu.memory_space<hbm>> -> memref<4x128xi32, #tpu.memory_space<hbm>>
    %dma_start3A_6 = arith.constant 0 : i32
    %dma_start3A_7 = tpu.memref_slice %arg2[%add3A_4, %dma_start3A_6] : memref<6400x128xi32, #tpu.memory_space<hbm>> -> memref<4x128xi32, #tpu.memory_space<hbm>>
    tpu.enqueue_dma source(%dma_start3A_7 : memref<4x128xi32, #tpu.memory_space<hbm>>) target(%arg9 : memref<4x128xi32, #tpu.memory_space<vmem>>) target_semaphore(%arg23 : memref<!tpu.dma_semaphore, #tpu.memory_space<semaphore_mem>>)
    %dma_start3A_8 = arith.constant 0 : i32
    %dma_start3A_9 = tpu.memref_slice %arg3[%add3A_4, %dma_start3A_8] : memref<6400x128xi32, #tpu.memory_space<hbm>> -> memref<4x128xi32, #tpu.memory_space<hbm>>
    %dma_start3A_10 = arith.constant 0 : i32
    %dma_start3A_11 = tpu.memref_slice %arg3[%add3A_4, %dma_start3A_10] : memref<6400x128xi32, #tpu.memory_space<hbm>> -> memref<4x128xi32, #tpu.memory_space<hbm>>
    tpu.enqueue_dma source(%dma_start3A_11 : memref<4x128xi32, #tpu.memory_space<hbm>>) target(%arg10 : memref<4x128xi32, #tpu.memory_space<vmem>>) target_semaphore(%arg23 : memref<!tpu.dma_semaphore, #tpu.memory_space<semaphore_mem>>)
    %dma_start3A_12 = arith.constant 0 : i32
    %dma_start3A_13 = tpu.memref_slice %arg4[%add3A_4, %dma_start3A_12] : memref<6400x128xi32, #tpu.memory_space<hbm>> -> memref<4x128xi32, #tpu.memory_space<hbm>>
    %dma_start3A_14 = arith.constant 0 : i32
    %dma_start3A_15 = tpu.memref_slice %arg4[%add3A_4, %dma_start3A_14] : memref<6400x128xi32, #tpu.memory_space<hbm>> -> memref<4x128xi32, #tpu.memory_space<hbm>>
    tpu.enqueue_dma source(%dma_start3A_15 : memref<4x128xi32, #tpu.memory_space<hbm>>) target(%arg11 : memref<4x128xi32, #tpu.memory_space<vmem>>) target_semaphore(%arg23 : memref<!tpu.dma_semaphore, #tpu.memory_space<semaphore_mem>>)
    %dma_start3A_16 = arith.constant 0 : i32
    %dma_start3A_17 = tpu.memref_slice %arg5[%add3A_4, %dma_start3A_16] : memref<6400x128xi32, #tpu.memory_space<hbm>> -> memref<4x128xi32, #tpu.memory_space<hbm>>
    %dma_start3A_18 = arith.constant 0 : i32
    %dma_start3A_19 = tpu.memref_slice %arg5[%add3A_4, %dma_start3A_18] : memref<6400x128xi32, #tpu.memory_space<hbm>> -> memref<4x128xi32, #tpu.memory_space<hbm>>
    tpu.enqueue_dma source(%dma_start3A_19 : memref<4x128xi32, #tpu.memory_space<hbm>>) target(%arg12 : memref<4x128xi32, #tpu.memory_space<vmem>>) target_semaphore(%arg23 : memref<!tpu.dma_semaphore, #tpu.memory_space<semaphore_mem>>)
    %scan3A = arith.constant 0 : i32
    %scan3A_20 = arith.constant 0 : i32
    %scan3A_21 = arith.constant 25 : i32
    %scan3A_22 = arith.addi %scan3A_20, %scan3A_21 : i32
    %scan3A_23 = arith.constant 1 : i32
    scf.for %scan3A_48 = %scan3A_20 to %scan3A_22 step %scan3A_23  : i32 {
      %mul3A_49 = arith.constant 2 : i32
      %mul3A_50 = arith.muli %mul3A_49, %scan3A_48 : i32
      %mul3A_51 = arith.constant 2 : i32
      %mul3A_52 = arith.muli %mul3A_51, %scan3A_48 : i32
      %add3A_53 = arith.constant 1 : i32
      %add3A_54 = arith.addi %mul3A_52, %add3A_53 : i32
      %gt3A = arith.constant 0 : i32
      %gt3A_55 = arith.cmpi sgt, %scan3A_48, %gt3A : i32
      %convert_element_type3A = arith.extui %gt3A_55 : i1 to i32
      %cond3A = arith.constant 0 : i32
      %cond3A_56 = arith.cmpi ne, %convert_element_type3A, %cond3A : i32
      scf.if %cond3A_56 {
        %sub3A = arith.constant 2 : i32
        %sub3A_527 = arith.subi %mul3A_50, %sub3A : i32
        %mul3A_528 = arith.constant 4 : i32
        %mul3A_529 = arith.muli %sub3A_527, %mul3A_528 : i32
        %add3A_530 = arith.addi %mul3A_2, %mul3A_529 : i32
        %mul3A_531 = arith.constant 128 : i32
        %mul3A_532 = arith.muli %add3A_530, %mul3A_531 : i32
        %dma_wait3A_533 = arith.constant 0 : i32
        %dma_wait3A_534 = tpu.memref_slice %arg8[%mul3A_532, %dma_wait3A_533] : memref<819200x128xf32, #tpu.memory_space<hbm>> -> memref<512x64xf32, #tpu.memory_space<hbm>>
        %dma_wait3A_535 = arith.constant 0 : i32
        %dma_wait3A_536 = tpu.memref_slice %arg8[%mul3A_532, %dma_wait3A_535] : memref<819200x128xf32, #tpu.memory_space<hbm>> -> memref<512x64xf32, #tpu.memory_space<hbm>>
        tpu.wait_dma2 semaphore(%arg27 : memref<!tpu.dma_semaphore, #tpu.memory_space<semaphore_mem>>) src(%arg14 : memref<512x64xf32, #tpu.memory_space<vmem>>) dst(%dma_wait3A_536 : memref<512x64xf32, #tpu.memory_space<hbm>>)
        %dma_wait3A_537 = arith.constant 64 : i32
        %dma_wait3A_538 = tpu.memref_slice %arg8[%mul3A_532, %dma_wait3A_537] : memref<819200x128xf32, #tpu.memory_space<hbm>> -> memref<512x48xf32, #tpu.memory_space<hbm>>
        %dma_wait3A_539 = arith.constant 64 : i32
        %dma_wait3A_540 = tpu.memref_slice %arg8[%mul3A_532, %dma_wait3A_539] : memref<819200x128xf32, #tpu.memory_space<hbm>> -> memref<512x48xf32, #tpu.memory_space<hbm>>
        tpu.wait_dma2 semaphore(%arg27 : memref<!tpu.dma_semaphore, #tpu.memory_space<semaphore_mem>>) src(%arg15 : memref<512x48xf32, #tpu.memory_space<vmem>>) dst(%dma_wait3A_540 : memref<512x48xf32, #tpu.memory_space<hbm>>)
      } else {
      }
      %dma_wait3A_57 = arith.constant 0 : i32
      %dma_wait3A_58 = arith.constant 0 : i32
      %dma_wait3A_59 = tpu.memref_slice %arg2[%dma_wait3A_57, %dma_wait3A_58] : memref<6400x128xi32, #tpu.memory_space<hbm>> -> memref<4x128xi32, #tpu.memory_space<hbm>>
      %dma_wait3A_60 = arith.constant 0 : i32
      %dma_wait3A_61 = arith.constant 0 : i32
      %dma_wait3A_62 = tpu.memref_slice %arg2[%dma_wait3A_60, %dma_wait3A_61] : memref<6400x128xi32, #tpu.memory_space<hbm>> -> memref<4x128xi32, #tpu.memory_space<hbm>>
      tpu.wait_dma2 semaphore(%arg23 : memref<!tpu.dma_semaphore, #tpu.memory_space<semaphore_mem>>) src(%dma_wait3A_62 : memref<4x128xi32, #tpu.memory_space<hbm>>) dst(%arg9 : memref<4x128xi32, #tpu.memory_space<vmem>>)
      %dma_wait3A_63 = arith.constant 0 : i32
      %dma_wait3A_64 = arith.constant 0 : i32
      %dma_wait3A_65 = tpu.memref_slice %arg2[%dma_wait3A_63, %dma_wait3A_64] : memref<6400x128xi32, #tpu.memory_space<hbm>> -> memref<4x128xi32, #tpu.memory_space<hbm>>
      %dma_wait3A_66 = arith.constant 0 : i32
      %dma_wait3A_67 = arith.constant 0 : i32
      %dma_wait3A_68 = tpu.memref_slice %arg2[%dma_wait3A_66, %dma_wait3A_67] : memref<6400x128xi32, #tpu.memory_space<hbm>> -> memref<4x128xi32, #tpu.memory_space<hbm>>
      tpu.wait_dma2 semaphore(%arg23 : memref<!tpu.dma_semaphore, #tpu.memory_space<semaphore_mem>>) src(%dma_wait3A_68 : memref<4x128xi32, #tpu.memory_space<hbm>>) dst(%arg10 : memref<4x128xi32, #tpu.memory_space<vmem>>)
      %dma_wait3A_69 = arith.constant 0 : i32
      %dma_wait3A_70 = arith.constant 0 : i32
      %dma_wait3A_71 = tpu.memref_slice %arg2[%dma_wait3A_69, %dma_wait3A_70] : memref<6400x128xi32, #tpu.memory_space<hbm>> -> memref<4x128xi32, #tpu.memory_space<hbm>>
      %dma_wait3A_72 = arith.constant 0 : i32
      %dma_wait3A_73 = arith.constant 0 : i32
      %dma_wait3A_74 = tpu.memref_slice %arg2[%dma_wait3A_72, %dma_wait3A_73] : memref<6400x128xi32, #tpu.memory_space<hbm>> -> memref<4x128xi32, #tpu.memory_space<hbm>>
      tpu.wait_dma2 semaphore(%arg23 : memref<!tpu.dma_semaphore, #tpu.memory_space<semaphore_mem>>) src(%dma_wait3A_74 : memref<4x128xi32, #tpu.memory_space<hbm>>) dst(%arg11 : memref<4x128xi32, #tpu.memory_space<vmem>>)
      %dma_wait3A_75 = arith.constant 0 : i32
      %dma_wait3A_76 = arith.constant 0 : i32
      %dma_wait3A_77 = tpu.memref_slice %arg2[%dma_wait3A_75, %dma_wait3A_76] : memref<6400x128xi32, #tpu.memory_space<hbm>> -> memref<4x128xi32, #tpu.memory_space<hbm>>
      %dma_wait3A_78 = arith.constant 0 : i32
      %dma_wait3A_79 = arith.constant 0 : i32
      %dma_wait3A_80 = tpu.memref_slice %arg2[%dma_wait3A_78, %dma_wait3A_79] : memref<6400x128xi32, #tpu.memory_space<hbm>> -> memref<4x128xi32, #tpu.memory_space<hbm>>
      tpu.wait_dma2 semaphore(%arg23 : memref<!tpu.dma_semaphore, #tpu.memory_space<semaphore_mem>>) src(%dma_wait3A_80 : memref<4x128xi32, #tpu.memory_space<hbm>>) dst(%arg12 : memref<4x128xi32, #tpu.memory_space<vmem>>)
      %mul3A_81 = arith.constant 4 : i32
      %mul3A_82 = arith.muli %add3A_54, %mul3A_81 : i32
      %add3A_83 = arith.addi %mul3A_2, %mul3A_82 : i32
      %dma_start3A_84 = arith.constant 0 : i32
      %dma_start3A_85 = tpu.memref_slice %arg2[%add3A_83, %dma_start3A_84] : memref<6400x128xi32, #tpu.memory_space<hbm>> -> memref<4x128xi32, #tpu.memory_space<hbm>>
      %dma_start3A_86 = arith.constant 0 : i32
      %dma_start3A_87 = tpu.memref_slice %arg2[%add3A_83, %dma_start3A_86] : memref<6400x128xi32, #tpu.memory_space<hbm>> -> memref<4x128xi32, #tpu.memory_space<hbm>>
      tpu.enqueue_dma source(%dma_start3A_87 : memref<4x128xi32, #tpu.memory_space<hbm>>) target(%arg16 : memref<4x128xi32, #tpu.memory_space<vmem>>) target_semaphore(%arg24 : memref<!tpu.dma_semaphore, #tpu.memory_space<semaphore_mem>>)
      %dma_start3A_88 = arith.constant 0 : i32
      %dma_start3A_89 = tpu.memref_slice %arg3[%add3A_83, %dma_start3A_88] : memref<6400x128xi32, #tpu.memory_space<hbm>> -> memref<4x128xi32, #tpu.memory_space<hbm>>
      %dma_start3A_90 = arith.constant 0 : i32
      %dma_start3A_91 = tpu.memref_slice %arg3[%add3A_83, %dma_start3A_90] : memref<6400x128xi32, #tpu.memory_space<hbm>> -> memref<4x128xi32, #tpu.memory_space<hbm>>
      tpu.enqueue_dma source(%dma_start3A_91 : memref<4x128xi32, #tpu.memory_space<hbm>>) target(%arg17 : memref<4x128xi32, #tpu.memory_space<vmem>>) target_semaphore(%arg24 : memref<!tpu.dma_semaphore, #tpu.memory_space<semaphore_mem>>)
      %dma_start3A_92 = arith.constant 0 : i32
      %dma_start3A_93 = tpu.memref_slice %arg4[%add3A_83, %dma_start3A_92] : memref<6400x128xi32, #tpu.memory_space<hbm>> -> memref<4x128xi32, #tpu.memory_space<hbm>>
      %dma_start3A_94 = arith.constant 0 : i32
      %dma_start3A_95 = tpu.memref_slice %arg4[%add3A_83, %dma_start3A_94] : memref<6400x128xi32, #tpu.memory_space<hbm>> -> memref<4x128xi32, #tpu.memory_space<hbm>>
      tpu.enqueue_dma source(%dma_start3A_95 : memref<4x128xi32, #tpu.memory_space<hbm>>) target(%arg18 : memref<4x128xi32, #tpu.memory_space<vmem>>) target_semaphore(%arg24 : memref<!tpu.dma_semaphore, #tpu.memory_space<semaphore_mem>>)
      %dma_start3A_96 = arith.constant 0 : i32
      %dma_start3A_97 = tpu.memref_slice %arg5[%add3A_83, %dma_start3A_96] : memref<6400x128xi32, #tpu.memory_space<hbm>> -> memref<4x128xi32, #tpu.memory_space<hbm>>
      %dma_start3A_98 = arith.constant 0 : i32
      %dma_start3A_99 = tpu.memref_slice %arg5[%add3A_83, %dma_start3A_98] : memref<6400x128xi32, #tpu.memory_space<hbm>> -> memref<4x128xi32, #tpu.memory_space<hbm>>
      tpu.enqueue_dma source(%dma_start3A_99 : memref<4x128xi32, #tpu.memory_space<hbm>>) target(%arg19 : memref<4x128xi32, #tpu.memory_space<vmem>>) target_semaphore(%arg24 : memref<!tpu.dma_semaphore, #tpu.memory_space<semaphore_mem>>)
      %scan3A_100 = arith.constant 0 : i32
      %scan3A_101 = arith.constant 0 : i32
      %scan3A_102 = arith.constant 8 : i32
      %scan3A_103 = arith.addi %scan3A_101, %scan3A_102 : i32
      %scan3A_104 = arith.constant 1 : i32
      scf.for %scan3A_527 = %scan3A_101 to %scan3A_103 step %scan3A_104  : i32 {
        %mul3A_528 = arith.constant 16 : i32
        %mul3A_529 = arith.muli %scan3A_527, %mul3A_528 : i32
        %get3A = arith.constant 0 : i32
        %get3A_530 = arith.index_cast %get3A : i32 to index
        %get3A_531 = arith.index_cast %mul3A_529 : i32 to index
        %get3A_532 = tpu.vector_load %arg10[%get3A_530, %get3A_531] {strides = array<i32>} : memref<4x128xi32, #tpu.memory_space<vmem>>, vector<1x16xi32>,
        %get3A_533 = vector.shape_cast %get3A_532 : vector<1x16xi32> to vector<16xi32>
        %mul3A_534 = arith.constant 576 : i32
        %mul3A_535 = vector.broadcast %mul3A_534 : i32 to vector<16xi32>
        %mul3A_536 = arith.muli %get3A_533, %mul3A_535 : vector<16xi32>
        %get3A_537 = arith.constant 0 : i32
        %get3A_538 = arith.index_cast %get3A_537 : i32 to index
        %get3A_539 = arith.index_cast %mul3A_529 : i32 to index
        %get3A_540 = tpu.vector_load %arg11[%get3A_538, %get3A_539] {strides = array<i32>} : memref<4x128xi32, #tpu.memory_space<vmem>>, vector<1x16xi32>,
        %get3A_541 = vector.shape_cast %get3A_540 : vector<1x16xi32> to vector<16xi32>
        %mul3A_542 = arith.constant 24 : i32
        %mul3A_543 = vector.broadcast %mul3A_542 : i32 to vector<16xi32>
        %mul3A_544 = arith.muli %get3A_541, %mul3A_543 : vector<16xi32>
        %add3A_545 = arith.addi %mul3A_536, %mul3A_544 : vector<16xi32>
        %get3A_546 = arith.constant 0 : i32
        %get3A_547 = arith.index_cast %get3A_546 : i32 to index
        %get3A_548 = arith.index_cast %mul3A_529 : i32 to index
        %get3A_549 = tpu.vector_load %arg12[%get3A_547, %get3A_548] {strides = array<i32>} : memref<4x128xi32, #tpu.memory_space<vmem>>, vector<1x16xi32>,
        %get3A_550 = vector.shape_cast %get3A_549 : vector<1x16xi32> to vector<16xi32>
        %add3A_551 = arith.addi %add3A_545, %get3A_550 : vector<16xi32>
        %swap3A = arith.constant 0 : i32
        %swap3A_552 = arith.index_cast %swap3A : i32 to index
        %swap3A_553 = arith.index_cast %mul3A_529 : i32 to index
        %swap3A_554 = tpu.vector_load %arg13[%swap3A_552, %swap3A_553] {strides = array<i32>} : memref<4x128xi32, #tpu.memory_space<vmem>>, vector<1x16xi32>,
        %swap3A_555 = vector.shape_cast %swap3A_554 : vector<1x16xi32> to vector<16xi32>
        %swap3A_556 = vector.shape_cast %add3A_551 : vector<16xi32> to vector<1x16xi32>
        tpu.vector_store %arg13[%swap3A_552, %swap3A_553], %swap3A_556 {strides = array<i32>} : memref<4x128xi32, #tpu.memory_space<vmem>>, vector<1x16xi32>,
      }
      %scan3A_105 = arith.constant 8 : i32
      %scan3A_106 = arith.constant 0 : i32
      %scan3A_107 = arith.constant 0 : i32
      %scan3A_108 = arith.constant 8 : i32
      %scan3A_109 = arith.addi %scan3A_107, %scan3A_108 : i32
      %scan3A_110 = arith.constant 1 : i32
      scf.for %scan3A_527 = %scan3A_107 to %scan3A_109 step %scan3A_110  : i32 {
        %mul3A_528 = arith.constant 16 : i32
        %mul3A_529 = arith.muli %scan3A_527, %mul3A_528 : i32
        %get3A = arith.constant 1 : i32
        %get3A_530 = arith.index_cast %get3A : i32 to index
        %get3A_531 = arith.index_cast %mul3A_529 : i32 to index
        %get3A_532 = tpu.vector_load %arg10[%get3A_530, %get3A_531] {strides = array<i32>} : memref<4x128xi32, #tpu.memory_space<vmem>>, vector<1x16xi32>,
        %get3A_533 = vector.shape_cast %get3A_532 : vector<1x16xi32> to vector<16xi32>
        %mul3A_534 = arith.constant 576 : i32
        %mul3A_535 = vector.broadcast %mul3A_534 : i32 to vector<16xi32>
        %mul3A_536 = arith.muli %get3A_533, %mul3A_535 : vector<16xi32>
        %get3A_537 = arith.constant 1 : i32
        %get3A_538 = arith.index_cast %get3A_537 : i32 to index
        %get3A_539 = arith.index_cast %mul3A_529 : i32 to index
        %get3A_540 = tpu.vector_load %arg11[%get3A_538, %get3A_539] {strides = array<i32>} : memref<4x128xi32, #tpu.memory_space<vmem>>, vector<1x16xi32>,
        %get3A_541 = vector.shape_cast %get3A_540 : vector<1x16xi32> to vector<16xi32>
        %mul3A_542 = arith.constant 24 : i32
        %mul3A_543 = vector.broadcast %mul3A_542 : i32 to vector<16xi32>
        %mul3A_544 = arith.muli %get3A_541, %mul3A_543 : vector<16xi32>
        %add3A_545 = arith.addi %mul3A_536, %mul3A_544 : vector<16xi32>
        %get3A_546 = arith.constant 1 : i32
        %get3A_547 = arith.index_cast %get3A_546 : i32 to index
        %get3A_548 = arith.index_cast %mul3A_529 : i32 to index
        %get3A_549 = tpu.vector_load %arg12[%get3A_547, %get3A_548] {strides = array<i32>} : memref<4x128xi32, #tpu.memory_space<vmem>>, vector<1x16xi32>,
        %get3A_550 = vector.shape_cast %get3A_549 : vector<1x16xi32> to vector<16xi32>
        %add3A_551 = arith.addi %add3A_545, %get3A_550 : vector<16xi32>
        %swap3A = arith.constant 1 : i32
        %swap3A_552 = arith.index_cast %swap3A : i32 to index
        %swap3A_553 = arith.index_cast %mul3A_529 : i32 to index
        %swap3A_554 = tpu.vector_load %arg13[%swap3A_552, %swap3A_553] {strides = array<i32>} : memref<4x128xi32, #tpu.memory_space<vmem>>, vector<1x16xi32>,
        %swap3A_555 = vector.shape_cast %swap3A_554 : vector<1x16xi32> to vector<16xi32>
        %swap3A_556 = vector.shape_cast %add3A_551 : vector<16xi32> to vector<1x16xi32>
        tpu.vector_store %arg13[%swap3A_552, %swap3A_553], %swap3A_556 {strides = array<i32>} : memref<4x128xi32, #tpu.memory_space<vmem>>, vector<1x16xi32>,
      }
      %scan3A_111 = arith.constant 8 : i32
      %scan3A_112 = arith.constant 0 : i32
      %scan3A_113 = arith.constant 0 : i32
      %scan3A_114 = arith.constant 8 : i32
      %scan3A_115 = arith.addi %scan3A_113, %scan3A_114 : i32
      %scan3A_116 = arith.constant 1 : i32
      scf.for %scan3A_527 = %scan3A_113 to %scan3A_115 step %scan3A_116  : i32 {
        %mul3A_528 = arith.constant 16 : i32
        %mul3A_529 = arith.muli %scan3A_527, %mul3A_528 : i32
        %get3A = arith.constant 2 : i32
        %get3A_530 = arith.index_cast %get3A : i32 to index
        %get3A_531 = arith.index_cast %mul3A_529 : i32 to index
        %get3A_532 = tpu.vector_load %arg10[%get3A_530, %get3A_531] {strides = array<i32>} : memref<4x128xi32, #tpu.memory_space<vmem>>, vector<1x16xi32>,
        %get3A_533 = vector.shape_cast %get3A_532 : vector<1x16xi32> to vector<16xi32>
        %mul3A_534 = arith.constant 576 : i32
        %mul3A_535 = vector.broadcast %mul3A_534 : i32 to vector<16xi32>
        %mul3A_536 = arith.muli %get3A_533, %mul3A_535 : vector<16xi32>
        %get3A_537 = arith.constant 2 : i32
        %get3A_538 = arith.index_cast %get3A_537 : i32 to index
        %get3A_539 = arith.index_cast %mul3A_529 : i32 to index
        %get3A_540 = tpu.vector_load %arg11[%get3A_538, %get3A_539] {strides = array<i32>} : memref<4x128xi32, #tpu.memory_space<vmem>>, vector<1x16xi32>,
        %get3A_541 = vector.shape_cast %get3A_540 : vector<1x16xi32> to vector<16xi32>
        %mul3A_542 = arith.constant 24 : i32
        %mul3A_543 = vector.broadcast %mul3A_542 : i32 to vector<16xi32>
        %mul3A_544 = arith.muli %get3A_541, %mul3A_543 : vector<16xi32>
        %add3A_545 = arith.addi %mul3A_536, %mul3A_544 : vector<16xi32>
        %get3A_546 = arith.constant 2 : i32
        %get3A_547 = arith.index_cast %get3A_546 : i32 to index
        %get3A_548 = arith.index_cast %mul3A_529 : i32 to index
        %get3A_549 = tpu.vector_load %arg12[%get3A_547, %get3A_548] {strides = array<i32>} : memref<4x128xi32, #tpu.memory_space<vmem>>, vector<1x16xi32>,
        %get3A_550 = vector.shape_cast %get3A_549 : vector<1x16xi32> to vector<16xi32>
        %add3A_551 = arith.addi %add3A_545, %get3A_550 : vector<16xi32>
        %swap3A = arith.constant 2 : i32
        %swap3A_552 = arith.index_cast %swap3A : i32 to index
        %swap3A_553 = arith.index_cast %mul3A_529 : i32 to index
        %swap3A_554 = tpu.vector_load %arg13[%swap3A_552, %swap3A_553] {strides = array<i32>} : memref<4x128xi32, #tpu.memory_space<vmem>>, vector<1x16xi32>,
        %swap3A_555 = vector.shape_cast %swap3A_554 : vector<1x16xi32> to vector<16xi32>
        %swap3A_556 = vector.shape_cast %add3A_551 : vector<16xi32> to vector<1x16xi32>
        tpu.vector_store %arg13[%swap3A_552, %swap3A_553], %swap3A_556 {strides = array<i32>} : memref<4x128xi32, #tpu.memory_space<vmem>>, vector<1x16xi32>,
      }
      %scan3A_117 = arith.constant 8 : i32
      %scan3A_118 = arith.constant 0 : i32
      %scan3A_119 = arith.constant 0 : i32
      %scan3A_120 = arith.constant 8 : i32
      %scan3A_121 = arith.addi %scan3A_119, %scan3A_120 : i32
      %scan3A_122 = arith.constant 1 : i32
      scf.for %scan3A_527 = %scan3A_119 to %scan3A_121 step %scan3A_122  : i32 {
        %mul3A_528 = arith.constant 16 : i32
        %mul3A_529 = arith.muli %scan3A_527, %mul3A_528 : i32
        %get3A = arith.constant 3 : i32
        %get3A_530 = arith.index_cast %get3A : i32 to index
        %get3A_531 = arith.index_cast %mul3A_529 : i32 to index
        %get3A_532 = tpu.vector_load %arg10[%get3A_530, %get3A_531] {strides = array<i32>} : memref<4x128xi32, #tpu.memory_space<vmem>>, vector<1x16xi32>,
        %get3A_533 = vector.shape_cast %get3A_532 : vector<1x16xi32> to vector<16xi32>
        %mul3A_534 = arith.constant 576 : i32
        %mul3A_535 = vector.broadcast %mul3A_534 : i32 to vector<16xi32>
        %mul3A_536 = arith.muli %get3A_533, %mul3A_535 : vector<16xi32>
        %get3A_537 = arith.constant 3 : i32
        %get3A_538 = arith.index_cast %get3A_537 : i32 to index
        %get3A_539 = arith.index_cast %mul3A_529 : i32 to index
        %get3A_540 = tpu.vector_load %arg11[%get3A_538, %get3A_539] {strides = array<i32>} : memref<4x128xi32, #tpu.memory_space<vmem>>, vector<1x16xi32>,
        %get3A_541 = vector.shape_cast %get3A_540 : vector<1x16xi32> to vector<16xi32>
        %mul3A_542 = arith.constant 24 : i32
        %mul3A_543 = vector.broadcast %mul3A_542 : i32 to vector<16xi32>
        %mul3A_544 = arith.muli %get3A_541, %mul3A_543 : vector<16xi32>
        %add3A_545 = arith.addi %mul3A_536, %mul3A_544 : vector<16xi32>
        %get3A_546 = arith.constant 3 : i32
        %get3A_547 = arith.index_cast %get3A_546 : i32 to index
        %get3A_548 = arith.index_cast %mul3A_529 : i32 to index
        %get3A_549 = tpu.vector_load %arg12[%get3A_547, %get3A_548] {strides = array<i32>} : memref<4x128xi32, #tpu.memory_space<vmem>>, vector<1x16xi32>,
        %get3A_550 = vector.shape_cast %get3A_549 : vector<1x16xi32> to vector<16xi32>
        %add3A_551 = arith.addi %add3A_545, %get3A_550 : vector<16xi32>
        %swap3A = arith.constant 3 : i32
        %swap3A_552 = arith.index_cast %swap3A : i32 to index
        %swap3A_553 = arith.index_cast %mul3A_529 : i32 to index
        %swap3A_554 = tpu.vector_load %arg13[%swap3A_552, %swap3A_553] {strides = array<i32>} : memref<4x128xi32, #tpu.memory_space<vmem>>, vector<1x16xi32>,
        %swap3A_555 = vector.shape_cast %swap3A_554 : vector<1x16xi32> to vector<16xi32>
        %swap3A_556 = vector.shape_cast %add3A_551 : vector<16xi32> to vector<1x16xi32>
        tpu.vector_store %arg13[%swap3A_552, %swap3A_553], %swap3A_556 {strides = array<i32>} : memref<4x128xi32, #tpu.memory_space<vmem>>, vector<1x16xi32>,
      }
      %scan3A_123 = arith.constant 8 : i32
      %dma_start3A_124 = arith.constant 0 : i32
      %dma_start3A_125 = arith.constant 0 : i32
      %dma_start3A_126 = arith.constant 0 : i32
      %dma_start3A_127 = tpu.memref_slice %arg14[%dma_start3A_125, %dma_start3A_126] : memref<512x64xf32, #tpu.memory_space<vmem>> -> memref<128x64xf32, #tpu.memory_space<vmem>>
      %dma_start3A_128 = arith.constant 0 : i32
      %dma_start3A_129 = tpu.memref_slice %arg9[%dma_start3A_124, %dma_start3A_128] : memref<4x128xi32, #tpu.memory_space<vmem>> -> memref<1x128xi32, #tpu.memory_space<vmem>>
      %dma_start3A_130 = tpu.memref_squeeze %dma_start3A_129 : memref<1x128xi32, #tpu.memory_space<vmem>> -> memref<128xi32, #tpu.memory_space<vmem>>
      %dma_start3A_131 = arith.constant 0 : i32
      %dma_start3A_132 = arith.constant 0 : i32
      %dma_start3A_133 = tpu.memref_slice %arg6[%dma_start3A_131, %dma_start3A_132] : memref<1000000x64xf32, #tpu.memory_space<hbm>> -> memref<1000000x64xf32, #tpu.memory_space<hbm>>
      tpu.enqueue_indirect_dma source(%dma_start3A_133 : memref<1000000x64xf32, #tpu.memory_space<hbm>>) target(%dma_start3A_127 : memref<128x64xf32, #tpu.memory_space<vmem>>) offsets(%dma_start3A_130 : memref<128xi32, #tpu.memory_space<vmem>>) semaphore(%arg25 : memref<!tpu.dma_semaphore, #tpu.memory_space<semaphore_mem>>)
      %dma_start3A_134 = arith.constant 0 : i32
      %dma_start3A_135 = arith.constant 0 : i32
      %dma_start3A_136 = arith.constant 0 : i32
      %dma_start3A_137 = tpu.memref_slice %arg15[%dma_start3A_135, %dma_start3A_136] : memref<512x48xf32, #tpu.memory_space<vmem>> -> memref<128x48xf32, #tpu.memory_space<vmem>>
      %dma_start3A_138 = arith.constant 0 : i32
      %dma_start3A_139 = tpu.memref_slice %arg13[%dma_start3A_134, %dma_start3A_138] : memref<4x128xi32, #tpu.memory_space<vmem>> -> memref<1x128xi32, #tpu.memory_space<vmem>>
      %dma_start3A_140 = tpu.memref_squeeze %dma_start3A_139 : memref<1x128xi32, #tpu.memory_space<vmem>> -> memref<128xi32, #tpu.memory_space<vmem>>
      %dma_start3A_141 = arith.constant 0 : i32
      %dma_start3A_142 = arith.constant 0 : i32
      %dma_start3A_143 = tpu.memref_slice %arg7[%dma_start3A_141, %dma_start3A_142] : memref<4032x48xf32, #tpu.memory_space<hbm>> -> memref<4032x48xf32, #tpu.memory_space<hbm>>
      tpu.enqueue_indirect_dma source(%dma_start3A_143 : memref<4032x48xf32, #tpu.memory_space<hbm>>) target(%dma_start3A_137 : memref<128x48xf32, #tpu.memory_space<vmem>>) offsets(%dma_start3A_140 : memref<128xi32, #tpu.memory_space<vmem>>) semaphore(%arg25 : memref<!tpu.dma_semaphore, #tpu.memory_space<semaphore_mem>>)
      %dma_start3A_144 = arith.constant 1 : i32
      %dma_start3A_145 = arith.constant 128 : i32
      %dma_start3A_146 = arith.constant 0 : i32
      %dma_start3A_147 = tpu.memref_slice %arg14[%dma_start3A_145, %dma_start3A_146] : memref<512x64xf32, #tpu.memory_space<vmem>> -> memref<128x64xf32, #tpu.memory_space<vmem>>
      %dma_start3A_148 = arith.constant 0 : i32
      %dma_start3A_149 = tpu.memref_slice %arg9[%dma_start3A_144, %dma_start3A_148] : memref<4x128xi32, #tpu.memory_space<vmem>> -> memref<1x128xi32, #tpu.memory_space<vmem>>
      %dma_start3A_150 = tpu.memref_squeeze %dma_start3A_149 : memref<1x128xi32, #tpu.memory_space<vmem>> -> memref<128xi32, #tpu.memory_space<vmem>>
      %dma_start3A_151 = arith.constant 0 : i32
      %dma_start3A_152 = arith.constant 0 : i32
      %dma_start3A_153 = tpu.memref_slice %arg6[%dma_start3A_151, %dma_start3A_152] : memref<1000000x64xf32, #tpu.memory_space<hbm>> -> memref<1000000x64xf32, #tpu.memory_space<hbm>>
      tpu.enqueue_indirect_dma source(%dma_start3A_153 : memref<1000000x64xf32, #tpu.memory_space<hbm>>) target(%dma_start3A_147 : memref<128x64xf32, #tpu.memory_space<vmem>>) offsets(%dma_start3A_150 : memref<128xi32, #tpu.memory_space<vmem>>) semaphore(%arg25 : memref<!tpu.dma_semaphore, #tpu.memory_space<semaphore_mem>>)
      %dma_start3A_154 = arith.constant 1 : i32
      %dma_start3A_155 = arith.constant 128 : i32
      %dma_start3A_156 = arith.constant 0 : i32
      %dma_start3A_157 = tpu.memref_slice %arg15[%dma_start3A_155, %dma_start3A_156] : memref<512x48xf32, #tpu.memory_space<vmem>> -> memref<128x48xf32, #tpu.memory_space<vmem>>
      %dma_start3A_158 = arith.constant 0 : i32
      %dma_start3A_159 = tpu.memref_slice %arg13[%dma_start3A_154, %dma_start3A_158] : memref<4x128xi32, #tpu.memory_space<vmem>> -> memref<1x128xi32, #tpu.memory_space<vmem>>
      %dma_start3A_160 = tpu.memref_squeeze %dma_start3A_159 : memref<1x128xi32, #tpu.memory_space<vmem>> -> memref<128xi32, #tpu.memory_space<vmem>>
      %dma_start3A_161 = arith.constant 0 : i32
      %dma_start3A_162 = arith.constant 0 : i32
      %dma_start3A_163 = tpu.memref_slice %arg7[%dma_start3A_161, %dma_start3A_162] : memref<4032x48xf32, #tpu.memory_space<hbm>> -> memref<4032x48xf32, #tpu.memory_space<hbm>>
      tpu.enqueue_indirect_dma source(%dma_start3A_163 : memref<4032x48xf32, #tpu.memory_space<hbm>>) target(%dma_start3A_157 : memref<128x48xf32, #tpu.memory_space<vmem>>) offsets(%dma_start3A_160 : memref<128xi32, #tpu.memory_space<vmem>>) semaphore(%arg25 : memref<!tpu.dma_semaphore, #tpu.memory_space<semaphore_mem>>)
      %dma_start3A_164 = arith.constant 2 : i32
      %dma_start3A_165 = arith.constant 256 : i32
      %dma_start3A_166 = arith.constant 0 : i32
      %dma_start3A_167 = tpu.memref_slice %arg14[%dma_start3A_165, %dma_start3A_166] : memref<512x64xf32, #tpu.memory_space<vmem>> -> memref<128x64xf32, #tpu.memory_space<vmem>>
      %dma_start3A_168 = arith.constant 0 : i32
      %dma_start3A_169 = tpu.memref_slice %arg9[%dma_start3A_164, %dma_start3A_168] : memref<4x128xi32, #tpu.memory_space<vmem>> -> memref<1x128xi32, #tpu.memory_space<vmem>>
      %dma_start3A_170 = tpu.memref_squeeze %dma_start3A_169 : memref<1x128xi32, #tpu.memory_space<vmem>> -> memref<128xi32, #tpu.memory_space<vmem>>
      %dma_start3A_171 = arith.constant 0 : i32
      %dma_start3A_172 = arith.constant 0 : i32
      %dma_start3A_173 = tpu.memref_slice %arg6[%dma_start3A_171, %dma_start3A_172] : memref<1000000x64xf32, #tpu.memory_space<hbm>> -> memref<1000000x64xf32, #tpu.memory_space<hbm>>
      tpu.enqueue_indirect_dma source(%dma_start3A_173 : memref<1000000x64xf32, #tpu.memory_space<hbm>>) target(%dma_start3A_167 : memref<128x64xf32, #tpu.memory_space<vmem>>) offsets(%dma_start3A_170 : memref<128xi32, #tpu.memory_space<vmem>>) semaphore(%arg25 : memref<!tpu.dma_semaphore, #tpu.memory_space<semaphore_mem>>)
      %dma_start3A_174 = arith.constant 2 : i32
      %dma_start3A_175 = arith.constant 256 : i32
      %dma_start3A_176 = arith.constant 0 : i32
      %dma_start3A_177 = tpu.memref_slice %arg15[%dma_start3A_175, %dma_start3A_176] : memref<512x48xf32, #tpu.memory_space<vmem>> -> memref<128x48xf32, #tpu.memory_space<vmem>>
      %dma_start3A_178 = arith.constant 0 : i32
      %dma_start3A_179 = tpu.memref_slice %arg13[%dma_start3A_174, %dma_start3A_178] : memref<4x128xi32, #tpu.memory_space<vmem>> -> memref<1x128xi32, #tpu.memory_space<vmem>>
      %dma_start3A_180 = tpu.memref_squeeze %dma_start3A_179 : memref<1x128xi32, #tpu.memory_space<vmem>> -> memref<128xi32, #tpu.memory_space<vmem>>
      %dma_start3A_181 = arith.constant 0 : i32
      %dma_start3A_182 = arith.constant 0 : i32
      %dma_start3A_183 = tpu.memref_slice %arg7[%dma_start3A_181, %dma_start3A_182] : memref<4032x48xf32, #tpu.memory_space<hbm>> -> memref<4032x48xf32, #tpu.memory_space<hbm>>
      tpu.enqueue_indirect_dma source(%dma_start3A_183 : memref<4032x48xf32, #tpu.memory_space<hbm>>) target(%dma_start3A_177 : memref<128x48xf32, #tpu.memory_space<vmem>>) offsets(%dma_start3A_180 : memref<128xi32, #tpu.memory_space<vmem>>) semaphore(%arg25 : memref<!tpu.dma_semaphore, #tpu.memory_space<semaphore_mem>>)
      %dma_start3A_184 = arith.constant 3 : i32
      %dma_start3A_185 = arith.constant 384 : i32
      %dma_start3A_186 = arith.constant 0 : i32
      %dma_start3A_187 = tpu.memref_slice %arg14[%dma_start3A_185, %dma_start3A_186] : memref<512x64xf32, #tpu.memory_space<vmem>> -> memref<128x64xf32, #tpu.memory_space<vmem>>
      %dma_start3A_188 = arith.constant 0 : i32
      %dma_start3A_189 = tpu.memref_slice %arg9[%dma_start3A_184, %dma_start3A_188] : memref<4x128xi32, #tpu.memory_space<vmem>> -> memref<1x128xi32, #tpu.memory_space<vmem>>
      %dma_start3A_190 = tpu.memref_squeeze %dma_start3A_189 : memref<1x128xi32, #tpu.memory_space<vmem>> -> memref<128xi32, #tpu.memory_space<vmem>>
      %dma_start3A_191 = arith.constant 0 : i32
      %dma_start3A_192 = arith.constant 0 : i32
      %dma_start3A_193 = tpu.memref_slice %arg6[%dma_start3A_191, %dma_start3A_192] : memref<1000000x64xf32, #tpu.memory_space<hbm>> -> memref<1000000x64xf32, #tpu.memory_space<hbm>>
      tpu.enqueue_indirect_dma source(%dma_start3A_193 : memref<1000000x64xf32, #tpu.memory_space<hbm>>) target(%dma_start3A_187 : memref<128x64xf32, #tpu.memory_space<vmem>>) offsets(%dma_start3A_190 : memref<128xi32, #tpu.memory_space<vmem>>) semaphore(%arg25 : memref<!tpu.dma_semaphore, #tpu.memory_space<semaphore_mem>>)
      %dma_start3A_194 = arith.constant 3 : i32
      %dma_start3A_195 = arith.constant 384 : i32
      %dma_start3A_196 = arith.constant 0 : i32
      %dma_start3A_197 = tpu.memref_slice %arg15[%dma_start3A_195, %dma_start3A_196] : memref<512x48xf32, #tpu.memory_space<vmem>> -> memref<128x48xf32, #tpu.memory_space<vmem>>
      %dma_start3A_198 = arith.constant 0 : i32
      %dma_start3A_199 = tpu.memref_slice %arg13[%dma_start3A_194, %dma_start3A_198] : memref<4x128xi32, #tpu.memory_space<vmem>> -> memref<1x128xi32, #tpu.memory_space<vmem>>
      %dma_start3A_200 = tpu.memref_squeeze %dma_start3A_199 : memref<1x128xi32, #tpu.memory_space<vmem>> -> memref<128xi32, #tpu.memory_space<vmem>>
      %dma_start3A_201 = arith.constant 0 : i32
      %dma_start3A_202 = arith.constant 0 : i32
      %dma_start3A_203 = tpu.memref_slice %arg7[%dma_start3A_201, %dma_start3A_202] : memref<4032x48xf32, #tpu.memory_space<hbm>> -> memref<4032x48xf32, #tpu.memory_space<hbm>>
      tpu.enqueue_indirect_dma source(%dma_start3A_203 : memref<4032x48xf32, #tpu.memory_space<hbm>>) target(%dma_start3A_197 : memref<128x48xf32, #tpu.memory_space<vmem>>) offsets(%dma_start3A_200 : memref<128xi32, #tpu.memory_space<vmem>>) semaphore(%arg25 : memref<!tpu.dma_semaphore, #tpu.memory_space<semaphore_mem>>)
      %dma_wait3A_204 = arith.constant 0 : i32
      %dma_wait3A_205 = arith.constant 0 : i32
      %dma_wait3A_206 = arith.constant 0 : i32
      %dma_wait3A_207 = tpu.memref_slice %arg14[%dma_wait3A_205, %dma_wait3A_206] : memref<512x64xf32, #tpu.memory_space<vmem>> -> memref<128x64xf32, #tpu.memory_space<vmem>>
      %dma_wait3A_208 = arith.constant 0 : i32
      %dma_wait3A_209 = tpu.memref_slice %arg9[%dma_wait3A_204, %dma_wait3A_208] : memref<4x128xi32, #tpu.memory_space<vmem>> -> memref<1x128xi32, #tpu.memory_space<vmem>>
      %dma_wait3A_210 = tpu.memref_squeeze %dma_wait3A_209 : memref<1x128xi32, #tpu.memory_space<vmem>> -> memref<128xi32, #tpu.memory_space<vmem>>
      %dma_wait3A_211 = arith.constant 0 : i32
      %dma_wait3A_212 = arith.constant 0 : i32
      %dma_wait3A_213 = tpu.memref_slice %arg6[%dma_wait3A_211, %dma_wait3A_212] : memref<1000000x64xf32, #tpu.memory_space<hbm>> -> memref<1000000x64xf32, #tpu.memory_space<hbm>>
      tpu.wait_indirect_dma semaphore(%arg25 : memref<!tpu.dma_semaphore, #tpu.memory_space<semaphore_mem>>) src(%dma_wait3A_213 : memref<1000000x64xf32, #tpu.memory_space<hbm>>) dst(%dma_wait3A_207 : memref<128x64xf32, #tpu.memory_space<vmem>>)
      %dma_wait3A_214 = arith.constant 0 : i32
      %dma_wait3A_215 = arith.constant 0 : i32
      %dma_wait3A_216 = arith.constant 0 : i32
      %dma_wait3A_217 = tpu.memref_slice %arg15[%dma_wait3A_215, %dma_wait3A_216] : memref<512x48xf32, #tpu.memory_space<vmem>> -> memref<128x48xf32, #tpu.memory_space<vmem>>
      %dma_wait3A_218 = arith.constant 0 : i32
      %dma_wait3A_219 = tpu.memref_slice %arg13[%dma_wait3A_214, %dma_wait3A_218] : memref<4x128xi32, #tpu.memory_space<vmem>> -> memref<1x128xi32, #tpu.memory_space<vmem>>
      %dma_wait3A_220 = tpu.memref_squeeze %dma_wait3A_219 : memref<1x128xi32, #tpu.memory_space<vmem>> -> memref<128xi32, #tpu.memory_space<vmem>>
      %dma_wait3A_221 = arith.constant 0 : i32
      %dma_wait3A_222 = arith.constant 0 : i32
      %dma_wait3A_223 = tpu.memref_slice %arg7[%dma_wait3A_221, %dma_wait3A_222] : memref<4032x48xf32, #tpu.memory_space<hbm>> -> memref<4032x48xf32, #tpu.memory_space<hbm>>
      tpu.wait_indirect_dma semaphore(%arg25 : memref<!tpu.dma_semaphore, #tpu.memory_space<semaphore_mem>>) src(%dma_wait3A_223 : memref<4032x48xf32, #tpu.memory_space<hbm>>) dst(%dma_wait3A_217 : memref<128x48xf32, #tpu.memory_space<vmem>>)
      %dma_wait3A_224 = arith.constant 1 : i32
      %dma_wait3A_225 = arith.constant 128 : i32
      %dma_wait3A_226 = arith.constant 0 : i32
      %dma_wait3A_227 = tpu.memref_slice %arg14[%dma_wait3A_225, %dma_wait3A_226] : memref<512x64xf32, #tpu.memory_space<vmem>> -> memref<128x64xf32, #tpu.memory_space<vmem>>
      %dma_wait3A_228 = arith.constant 0 : i32
      %dma_wait3A_229 = tpu.memref_slice %arg9[%dma_wait3A_224, %dma_wait3A_228] : memref<4x128xi32, #tpu.memory_space<vmem>> -> memref<1x128xi32, #tpu.memory_space<vmem>>
      %dma_wait3A_230 = tpu.memref_squeeze %dma_wait3A_229 : memref<1x128xi32, #tpu.memory_space<vmem>> -> memref<128xi32, #tpu.memory_space<vmem>>
      %dma_wait3A_231 = arith.constant 0 : i32
      %dma_wait3A_232 = arith.constant 0 : i32
      %dma_wait3A_233 = tpu.memref_slice %arg6[%dma_wait3A_231, %dma_wait3A_232] : memref<1000000x64xf32, #tpu.memory_space<hbm>> -> memref<1000000x64xf32, #tpu.memory_space<hbm>>
      tpu.wait_indirect_dma semaphore(%arg25 : memref<!tpu.dma_semaphore, #tpu.memory_space<semaphore_mem>>) src(%dma_wait3A_233 : memref<1000000x64xf32, #tpu.memory_space<hbm>>) dst(%dma_wait3A_227 : memref<128x64xf32, #tpu.memory_space<vmem>>)
      %dma_wait3A_234 = arith.constant 1 : i32
      %dma_wait3A_235 = arith.constant 128 : i32
      %dma_wait3A_236 = arith.constant 0 : i32
      %dma_wait3A_237 = tpu.memref_slice %arg15[%dma_wait3A_235, %dma_wait3A_236] : memref<512x48xf32, #tpu.memory_space<vmem>> -> memref<128x48xf32, #tpu.memory_space<vmem>>
      %dma_wait3A_238 = arith.constant 0 : i32
      %dma_wait3A_239 = tpu.memref_slice %arg13[%dma_wait3A_234, %dma_wait3A_238] : memref<4x128xi32, #tpu.memory_space<vmem>> -> memref<1x128xi32, #tpu.memory_space<vmem>>
      %dma_wait3A_240 = tpu.memref_squeeze %dma_wait3A_239 : memref<1x128xi32, #tpu.memory_space<vmem>> -> memref<128xi32, #tpu.memory_space<vmem>>
      %dma_wait3A_241 = arith.constant 0 : i32
      %dma_wait3A_242 = arith.constant 0 : i32
      %dma_wait3A_243 = tpu.memref_slice %arg7[%dma_wait3A_241, %dma_wait3A_242] : memref<4032x48xf32, #tpu.memory_space<hbm>> -> memref<4032x48xf32, #tpu.memory_space<hbm>>
      tpu.wait_indirect_dma semaphore(%arg25 : memref<!tpu.dma_semaphore, #tpu.memory_space<semaphore_mem>>) src(%dma_wait3A_243 : memref<4032x48xf32, #tpu.memory_space<hbm>>) dst(%dma_wait3A_237 : memref<128x48xf32, #tpu.memory_space<vmem>>)
      %dma_wait3A_244 = arith.constant 2 : i32
      %dma_wait3A_245 = arith.constant 256 : i32
      %dma_wait3A_246 = arith.constant 0 : i32
      %dma_wait3A_247 = tpu.memref_slice %arg14[%dma_wait3A_245, %dma_wait3A_246] : memref<512x64xf32, #tpu.memory_space<vmem>> -> memref<128x64xf32, #tpu.memory_space<vmem>>
      %dma_wait3A_248 = arith.constant 0 : i32
      %dma_wait3A_249 = tpu.memref_slice %arg9[%dma_wait3A_244, %dma_wait3A_248] : memref<4x128xi32, #tpu.memory_space<vmem>> -> memref<1x128xi32, #tpu.memory_space<vmem>>
      %dma_wait3A_250 = tpu.memref_squeeze %dma_wait3A_249 : memref<1x128xi32, #tpu.memory_space<vmem>> -> memref<128xi32, #tpu.memory_space<vmem>>
      %dma_wait3A_251 = arith.constant 0 : i32
      %dma_wait3A_252 = arith.constant 0 : i32
      %dma_wait3A_253 = tpu.memref_slice %arg6[%dma_wait3A_251, %dma_wait3A_252] : memref<1000000x64xf32, #tpu.memory_space<hbm>> -> memref<1000000x64xf32, #tpu.memory_space<hbm>>
      tpu.wait_indirect_dma semaphore(%arg25 : memref<!tpu.dma_semaphore, #tpu.memory_space<semaphore_mem>>) src(%dma_wait3A_253 : memref<1000000x64xf32, #tpu.memory_space<hbm>>) dst(%dma_wait3A_247 : memref<128x64xf32, #tpu.memory_space<vmem>>)
      %dma_wait3A_254 = arith.constant 2 : i32
      %dma_wait3A_255 = arith.constant 256 : i32
      %dma_wait3A_256 = arith.constant 0 : i32
      %dma_wait3A_257 = tpu.memref_slice %arg15[%dma_wait3A_255, %dma_wait3A_256] : memref<512x48xf32, #tpu.memory_space<vmem>> -> memref<128x48xf32, #tpu.memory_space<vmem>>
      %dma_wait3A_258 = arith.constant 0 : i32
      %dma_wait3A_259 = tpu.memref_slice %arg13[%dma_wait3A_254, %dma_wait3A_258] : memref<4x128xi32, #tpu.memory_space<vmem>> -> memref<1x128xi32, #tpu.memory_space<vmem>>
      %dma_wait3A_260 = tpu.memref_squeeze %dma_wait3A_259 : memref<1x128xi32, #tpu.memory_space<vmem>> -> memref<128xi32, #tpu.memory_space<vmem>>
      %dma_wait3A_261 = arith.constant 0 : i32
      %dma_wait3A_262 = arith.constant 0 : i32
      %dma_wait3A_263 = tpu.memref_slice %arg7[%dma_wait3A_261, %dma_wait3A_262] : memref<4032x48xf32, #tpu.memory_space<hbm>> -> memref<4032x48xf32, #tpu.memory_space<hbm>>
      tpu.wait_indirect_dma semaphore(%arg25 : memref<!tpu.dma_semaphore, #tpu.memory_space<semaphore_mem>>) src(%dma_wait3A_263 : memref<4032x48xf32, #tpu.memory_space<hbm>>) dst(%dma_wait3A_257 : memref<128x48xf32, #tpu.memory_space<vmem>>)
      %dma_wait3A_264 = arith.constant 3 : i32
      %dma_wait3A_265 = arith.constant 384 : i32
      %dma_wait3A_266 = arith.constant 0 : i32
      %dma_wait3A_267 = tpu.memref_slice %arg14[%dma_wait3A_265, %dma_wait3A_266] : memref<512x64xf32, #tpu.memory_space<vmem>> -> memref<128x64xf32, #tpu.memory_space<vmem>>
      %dma_wait3A_268 = arith.constant 0 : i32
      %dma_wait3A_269 = tpu.memref_slice %arg9[%dma_wait3A_264, %dma_wait3A_268] : memref<4x128xi32, #tpu.memory_space<vmem>> -> memref<1x128xi32, #tpu.memory_space<vmem>>
      %dma_wait3A_270 = tpu.memref_squeeze %dma_wait3A_269 : memref<1x128xi32, #tpu.memory_space<vmem>> -> memref<128xi32, #tpu.memory_space<vmem>>
      %dma_wait3A_271 = arith.constant 0 : i32
      %dma_wait3A_272 = arith.constant 0 : i32
      %dma_wait3A_273 = tpu.memref_slice %arg6[%dma_wait3A_271, %dma_wait3A_272] : memref<1000000x64xf32, #tpu.memory_space<hbm>> -> memref<1000000x64xf32, #tpu.memory_space<hbm>>
      tpu.wait_indirect_dma semaphore(%arg25 : memref<!tpu.dma_semaphore, #tpu.memory_space<semaphore_mem>>) src(%dma_wait3A_273 : memref<1000000x64xf32, #tpu.memory_space<hbm>>) dst(%dma_wait3A_267 : memref<128x64xf32, #tpu.memory_space<vmem>>)
      %dma_wait3A_274 = arith.constant 3 : i32
      %dma_wait3A_275 = arith.constant 384 : i32
      %dma_wait3A_276 = arith.constant 0 : i32
      %dma_wait3A_277 = tpu.memref_slice %arg15[%dma_wait3A_275, %dma_wait3A_276] : memref<512x48xf32, #tpu.memory_space<vmem>> -> memref<128x48xf32, #tpu.memory_space<vmem>>
      %dma_wait3A_278 = arith.constant 0 : i32
      %dma_wait3A_279 = tpu.memref_slice %arg13[%dma_wait3A_274, %dma_wait3A_278] : memref<4x128xi32, #tpu.memory_space<vmem>> -> memref<1x128xi32, #tpu.memory_space<vmem>>
      %dma_wait3A_280 = tpu.memref_squeeze %dma_wait3A_279 : memref<1x128xi32, #tpu.memory_space<vmem>> -> memref<128xi32, #tpu.memory_space<vmem>>
      %dma_wait3A_281 = arith.constant 0 : i32
      %dma_wait3A_282 = arith.constant 0 : i32
      %dma_wait3A_283 = tpu.memref_slice %arg7[%dma_wait3A_281, %dma_wait3A_282] : memref<4032x48xf32, #tpu.memory_space<hbm>> -> memref<4032x48xf32, #tpu.memory_space<hbm>>
      tpu.wait_indirect_dma semaphore(%arg25 : memref<!tpu.dma_semaphore, #tpu.memory_space<semaphore_mem>>) src(%dma_wait3A_283 : memref<4032x48xf32, #tpu.memory_space<hbm>>) dst(%dma_wait3A_277 : memref<128x48xf32, #tpu.memory_space<vmem>>)
      %mul3A_284 = arith.constant 4 : i32
      %mul3A_285 = arith.muli %mul3A_50, %mul3A_284 : i32
      %add3A_286 = arith.addi %mul3A_2, %mul3A_285 : i32
      %mul3A_287 = arith.constant 128 : i32
      %mul3A_288 = arith.muli %add3A_286, %mul3A_287 : i32
      %dma_start3A_289 = arith.constant 0 : i32
      %dma_start3A_290 = tpu.memref_slice %arg8[%mul3A_288, %dma_start3A_289] : memref<819200x128xf32, #tpu.memory_space<hbm>> -> memref<512x64xf32, #tpu.memory_space<hbm>>
      %dma_start3A_291 = arith.constant 0 : i32
      %dma_start3A_292 = tpu.memref_slice %arg8[%mul3A_288, %dma_start3A_291] : memref<819200x128xf32, #tpu.memory_space<hbm>> -> memref<512x64xf32, #tpu.memory_space<hbm>>
      tpu.enqueue_dma source(%arg14 : memref<512x64xf32, #tpu.memory_space<vmem>>) target(%dma_start3A_292 : memref<512x64xf32, #tpu.memory_space<hbm>>) target_semaphore(%arg27 : memref<!tpu.dma_semaphore, #tpu.memory_space<semaphore_mem>>)
      %dma_start3A_293 = arith.constant 64 : i32
      %dma_start3A_294 = tpu.memref_slice %arg8[%mul3A_288, %dma_start3A_293] : memref<819200x128xf32, #tpu.memory_space<hbm>> -> memref<512x48xf32, #tpu.memory_space<hbm>>
      %dma_start3A_295 = arith.constant 64 : i32
      %dma_start3A_296 = tpu.memref_slice %arg8[%mul3A_288, %dma_start3A_295] : memref<819200x128xf32, #tpu.memory_space<hbm>> -> memref<512x48xf32, #tpu.memory_space<hbm>>
      tpu.enqueue_dma source(%arg15 : memref<512x48xf32, #tpu.memory_space<vmem>>) target(%dma_start3A_296 : memref<512x48xf32, #tpu.memory_space<hbm>>) target_semaphore(%arg27 : memref<!tpu.dma_semaphore, #tpu.memory_space<semaphore_mem>>)
      %gt3A_297 = arith.constant 0 : i32
      %gt3A_298 = arith.cmpi sgt, %scan3A_48, %gt3A_297 : i32
      %convert_element_type3A_299 = arith.extui %gt3A_298 : i1 to i32
      %cond3A_300 = arith.constant 0 : i32
      %cond3A_301 = arith.cmpi ne, %convert_element_type3A_299, %cond3A_300 : i32
      scf.if %cond3A_301 {
        %sub3A = arith.constant 2 : i32
        %sub3A_527 = arith.subi %add3A_54, %sub3A : i32
        %mul3A_528 = arith.constant 4 : i32
        %mul3A_529 = arith.muli %sub3A_527, %mul3A_528 : i32
        %add3A_530 = arith.addi %mul3A_2, %mul3A_529 : i32
        %mul3A_531 = arith.constant 128 : i32
        %mul3A_532 = arith.muli %add3A_530, %mul3A_531 : i32
        %dma_wait3A_533 = arith.constant 0 : i32
        %dma_wait3A_534 = tpu.memref_slice %arg8[%mul3A_532, %dma_wait3A_533] : memref<819200x128xf32, #tpu.memory_space<hbm>> -> memref<512x64xf32, #tpu.memory_space<hbm>>
        %dma_wait3A_535 = arith.constant 0 : i32
        %dma_wait3A_536 = tpu.memref_slice %arg8[%mul3A_532, %dma_wait3A_535] : memref<819200x128xf32, #tpu.memory_space<hbm>> -> memref<512x64xf32, #tpu.memory_space<hbm>>
        tpu.wait_dma2 semaphore(%arg28 : memref<!tpu.dma_semaphore, #tpu.memory_space<semaphore_mem>>) src(%arg21 : memref<512x64xf32, #tpu.memory_space<vmem>>) dst(%dma_wait3A_536 : memref<512x64xf32, #tpu.memory_space<hbm>>)
        %dma_wait3A_537 = arith.constant 64 : i32
        %dma_wait3A_538 = tpu.memref_slice %arg8[%mul3A_532, %dma_wait3A_537] : memref<819200x128xf32, #tpu.memory_space<hbm>> -> memref<512x48xf32, #tpu.memory_space<hbm>>
        %dma_wait3A_539 = arith.constant 64 : i32
        %dma_wait3A_540 = tpu.memref_slice %arg8[%mul3A_532, %dma_wait3A_539] : memref<819200x128xf32, #tpu.memory_space<hbm>> -> memref<512x48xf32, #tpu.memory_space<hbm>>
        tpu.wait_dma2 semaphore(%arg28 : memref<!tpu.dma_semaphore, #tpu.memory_space<semaphore_mem>>) src(%arg22 : memref<512x48xf32, #tpu.memory_space<vmem>>) dst(%dma_wait3A_540 : memref<512x48xf32, #tpu.memory_space<hbm>>)
      } else {
      }
      %dma_wait3A_302 = arith.constant 0 : i32
      %dma_wait3A_303 = arith.constant 0 : i32
      %dma_wait3A_304 = tpu.memref_slice %arg2[%dma_wait3A_302, %dma_wait3A_303] : memref<6400x128xi32, #tpu.memory_space<hbm>> -> memref<4x128xi32, #tpu.memory_space<hbm>>
      %dma_wait3A_305 = arith.constant 0 : i32
      %dma_wait3A_306 = arith.constant 0 : i32
      %dma_wait3A_307 = tpu.memref_slice %arg2[%dma_wait3A_305, %dma_wait3A_306] : memref<6400x128xi32, #tpu.memory_space<hbm>> -> memref<4x128xi32, #tpu.memory_space<hbm>>
      tpu.wait_dma2 semaphore(%arg24 : memref<!tpu.dma_semaphore, #tpu.memory_space<semaphore_mem>>) src(%dma_wait3A_307 : memref<4x128xi32, #tpu.memory_space<hbm>>) dst(%arg16 : memref<4x128xi32, #tpu.memory_space<vmem>>)
      %dma_wait3A_308 = arith.constant 0 : i32
      %dma_wait3A_309 = arith.constant 0 : i32
      %dma_wait3A_310 = tpu.memref_slice %arg2[%dma_wait3A_308, %dma_wait3A_309] : memref<6400x128xi32, #tpu.memory_space<hbm>> -> memref<4x128xi32, #tpu.memory_space<hbm>>
      %dma_wait3A_311 = arith.constant 0 : i32
      %dma_wait3A_312 = arith.constant 0 : i32
      %dma_wait3A_313 = tpu.memref_slice %arg2[%dma_wait3A_311, %dma_wait3A_312] : memref<6400x128xi32, #tpu.memory_space<hbm>> -> memref<4x128xi32, #tpu.memory_space<hbm>>
      tpu.wait_dma2 semaphore(%arg24 : memref<!tpu.dma_semaphore, #tpu.memory_space<semaphore_mem>>) src(%dma_wait3A_313 : memref<4x128xi32, #tpu.memory_space<hbm>>) dst(%arg17 : memref<4x128xi32, #tpu.memory_space<vmem>>)
      %dma_wait3A_314 = arith.constant 0 : i32
      %dma_wait3A_315 = arith.constant 0 : i32
      %dma_wait3A_316 = tpu.memref_slice %arg2[%dma_wait3A_314, %dma_wait3A_315] : memref<6400x128xi32, #tpu.memory_space<hbm>> -> memref<4x128xi32, #tpu.memory_space<hbm>>
      %dma_wait3A_317 = arith.constant 0 : i32
      %dma_wait3A_318 = arith.constant 0 : i32
      %dma_wait3A_319 = tpu.memref_slice %arg2[%dma_wait3A_317, %dma_wait3A_318] : memref<6400x128xi32, #tpu.memory_space<hbm>> -> memref<4x128xi32, #tpu.memory_space<hbm>>
      tpu.wait_dma2 semaphore(%arg24 : memref<!tpu.dma_semaphore, #tpu.memory_space<semaphore_mem>>) src(%dma_wait3A_319 : memref<4x128xi32, #tpu.memory_space<hbm>>) dst(%arg18 : memref<4x128xi32, #tpu.memory_space<vmem>>)
      %dma_wait3A_320 = arith.constant 0 : i32
      %dma_wait3A_321 = arith.constant 0 : i32
      %dma_wait3A_322 = tpu.memref_slice %arg2[%dma_wait3A_320, %dma_wait3A_321] : memref<6400x128xi32, #tpu.memory_space<hbm>> -> memref<4x128xi32, #tpu.memory_space<hbm>>
      %dma_wait3A_323 = arith.constant 0 : i32
      %dma_wait3A_324 = arith.constant 0 : i32
      %dma_wait3A_325 = tpu.memref_slice %arg2[%dma_wait3A_323, %dma_wait3A_324] : memref<6400x128xi32, #tpu.memory_space<hbm>> -> memref<4x128xi32, #tpu.memory_space<hbm>>
      tpu.wait_dma2 semaphore(%arg24 : memref<!tpu.dma_semaphore, #tpu.memory_space<semaphore_mem>>) src(%dma_wait3A_325 : memref<4x128xi32, #tpu.memory_space<hbm>>) dst(%arg19 : memref<4x128xi32, #tpu.memory_space<vmem>>)
      %lt3A = arith.constant 24 : i32
      %lt3A_326 = arith.cmpi slt, %scan3A_48, %lt3A : i32
      %convert_element_type3A_327 = arith.extui %lt3A_326 : i1 to i32
      %cond3A_328 = arith.constant 0 : i32
      %cond3A_329 = arith.cmpi ne, %convert_element_type3A_327, %cond3A_328 : i32
      scf.if %cond3A_329 {
        %add3A_527 = arith.constant 1 : i32
        %add3A_528 = arith.addi %add3A_54, %add3A_527 : i32
        %mul3A_529 = arith.constant 4 : i32
        %mul3A_530 = arith.muli %add3A_528, %mul3A_529 : i32
        %add3A_531 = arith.addi %mul3A_2, %mul3A_530 : i32
        %dma_start3A_532 = arith.constant 0 : i32
        %dma_start3A_533 = tpu.memref_slice %arg2[%add3A_531, %dma_start3A_532] : memref<6400x128xi32, #tpu.memory_space<hbm>> -> memref<4x128xi32, #tpu.memory_space<hbm>>
        %dma_start3A_534 = arith.constant 0 : i32
        %dma_start3A_535 = tpu.memref_slice %arg2[%add3A_531, %dma_start3A_534] : memref<6400x128xi32, #tpu.memory_space<hbm>> -> memref<4x128xi32, #tpu.memory_space<hbm>>
        tpu.enqueue_dma source(%dma_start3A_535 : memref<4x128xi32, #tpu.memory_space<hbm>>) target(%arg9 : memref<4x128xi32, #tpu.memory_space<vmem>>) target_semaphore(%arg23 : memref<!tpu.dma_semaphore, #tpu.memory_space<semaphore_mem>>)
        %dma_start3A_536 = arith.constant 0 : i32
        %dma_start3A_537 = tpu.memref_slice %arg3[%add3A_531, %dma_start3A_536] : memref<6400x128xi32, #tpu.memory_space<hbm>> -> memref<4x128xi32, #tpu.memory_space<hbm>>
        %dma_start3A_538 = arith.constant 0 : i32
        %dma_start3A_539 = tpu.memref_slice %arg3[%add3A_531, %dma_start3A_538] : memref<6400x128xi32, #tpu.memory_space<hbm>> -> memref<4x128xi32, #tpu.memory_space<hbm>>
        tpu.enqueue_dma source(%dma_start3A_539 : memref<4x128xi32, #tpu.memory_space<hbm>>) target(%arg10 : memref<4x128xi32, #tpu.memory_space<vmem>>) target_semaphore(%arg23 : memref<!tpu.dma_semaphore, #tpu.memory_space<semaphore_mem>>)
        %dma_start3A_540 = arith.constant 0 : i32
        %dma_start3A_541 = tpu.memref_slice %arg4[%add3A_531, %dma_start3A_540] : memref<6400x128xi32, #tpu.memory_space<hbm>> -> memref<4x128xi32, #tpu.memory_space<hbm>>
        %dma_start3A_542 = arith.constant 0 : i32
        %dma_start3A_543 = tpu.memref_slice %arg4[%add3A_531, %dma_start3A_542] : memref<6400x128xi32, #tpu.memory_space<hbm>> -> memref<4x128xi32, #tpu.memory_space<hbm>>
        tpu.enqueue_dma source(%dma_start3A_543 : memref<4x128xi32, #tpu.memory_space<hbm>>) target(%arg11 : memref<4x128xi32, #tpu.memory_space<vmem>>) target_semaphore(%arg23 : memref<!tpu.dma_semaphore, #tpu.memory_space<semaphore_mem>>)
        %dma_start3A_544 = arith.constant 0 : i32
        %dma_start3A_545 = tpu.memref_slice %arg5[%add3A_531, %dma_start3A_544] : memref<6400x128xi32, #tpu.memory_space<hbm>> -> memref<4x128xi32, #tpu.memory_space<hbm>>
        %dma_start3A_546 = arith.constant 0 : i32
        %dma_start3A_547 = tpu.memref_slice %arg5[%add3A_531, %dma_start3A_546] : memref<6400x128xi32, #tpu.memory_space<hbm>> -> memref<4x128xi32, #tpu.memory_space<hbm>>
        tpu.enqueue_dma source(%dma_start3A_547 : memref<4x128xi32, #tpu.memory_space<hbm>>) target(%arg12 : memref<4x128xi32, #tpu.memory_space<vmem>>) target_semaphore(%arg23 : memref<!tpu.dma_semaphore, #tpu.memory_space<semaphore_mem>>)
      } else {
      }
      %scan3A_330 = arith.constant 0 : i32
      %scan3A_331 = arith.constant 0 : i32
      %scan3A_332 = arith.constant 8 : i32
      %scan3A_333 = arith.addi %scan3A_331, %scan3A_332 : i32
      %scan3A_334 = arith.constant 1 : i32
      scf.for %scan3A_527 = %scan3A_331 to %scan3A_333 step %scan3A_334  : i32 {
        %mul3A_528 = arith.constant 16 : i32
        %mul3A_529 = arith.muli %scan3A_527, %mul3A_528 : i32
        %get3A = arith.constant 0 : i32
        %get3A_530 = arith.index_cast %get3A : i32 to index
        %get3A_531 = arith.index_cast %mul3A_529 : i32 to index
        %get3A_532 = tpu.vector_load %arg17[%get3A_530, %get3A_531] {strides = array<i32>} : memref<4x128xi32, #tpu.memory_space<vmem>>, vector<1x16xi32>,
        %get3A_533 = vector.shape_cast %get3A_532 : vector<1x16xi32> to vector<16xi32>
        %mul3A_534 = arith.constant 576 : i32
        %mul3A_535 = vector.broadcast %mul3A_534 : i32 to vector<16xi32>
        %mul3A_536 = arith.muli %get3A_533, %mul3A_535 : vector<16xi32>
        %get3A_537 = arith.constant 0 : i32
        %get3A_538 = arith.index_cast %get3A_537 : i32 to index
        %get3A_539 = arith.index_cast %mul3A_529 : i32 to index
        %get3A_540 = tpu.vector_load %arg18[%get3A_538, %get3A_539] {strides = array<i32>} : memref<4x128xi32, #tpu.memory_space<vmem>>, vector<1x16xi32>,
        %get3A_541 = vector.shape_cast %get3A_540 : vector<1x16xi32> to vector<16xi32>
        %mul3A_542 = arith.constant 24 : i32
        %mul3A_543 = vector.broadcast %mul3A_542 : i32 to vector<16xi32>
        %mul3A_544 = arith.muli %get3A_541, %mul3A_543 : vector<16xi32>
        %add3A_545 = arith.addi %mul3A_536, %mul3A_544 : vector<16xi32>
        %get3A_546 = arith.constant 0 : i32
        %get3A_547 = arith.index_cast %get3A_546 : i32 to index
        %get3A_548 = arith.index_cast %mul3A_529 : i32 to index
        %get3A_549 = tpu.vector_load %arg19[%get3A_547, %get3A_548] {strides = array<i32>} : memref<4x128xi32, #tpu.memory_space<vmem>>, vector<1x16xi32>,
        %get3A_550 = vector.shape_cast %get3A_549 : vector<1x16xi32> to vector<16xi32>
        %add3A_551 = arith.addi %add3A_545, %get3A_550 : vector<16xi32>
        %swap3A = arith.constant 0 : i32
        %swap3A_552 = arith.index_cast %swap3A : i32 to index
        %swap3A_553 = arith.index_cast %mul3A_529 : i32 to index
        %swap3A_554 = tpu.vector_load %arg20[%swap3A_552, %swap3A_553] {strides = array<i32>} : memref<4x128xi32, #tpu.memory_space<vmem>>, vector<1x16xi32>,
        %swap3A_555 = vector.shape_cast %swap3A_554 : vector<1x16xi32> to vector<16xi32>
        %swap3A_556 = vector.shape_cast %add3A_551 : vector<16xi32> to vector<1x16xi32>
        tpu.vector_store %arg20[%swap3A_552, %swap3A_553], %swap3A_556 {strides = array<i32>} : memref<4x128xi32, #tpu.memory_space<vmem>>, vector<1x16xi32>,
      }
      %scan3A_335 = arith.constant 8 : i32
      %scan3A_336 = arith.constant 0 : i32
      %scan3A_337 = arith.constant 0 : i32
      %scan3A_338 = arith.constant 8 : i32
      %scan3A_339 = arith.addi %scan3A_337, %scan3A_338 : i32
      %scan3A_340 = arith.constant 1 : i32
      scf.for %scan3A_527 = %scan3A_337 to %scan3A_339 step %scan3A_340  : i32 {
        %mul3A_528 = arith.constant 16 : i32
        %mul3A_529 = arith.muli %scan3A_527, %mul3A_528 : i32
        %get3A = arith.constant 1 : i32
        %get3A_530 = arith.index_cast %get3A : i32 to index
        %get3A_531 = arith.index_cast %mul3A_529 : i32 to index
        %get3A_532 = tpu.vector_load %arg17[%get3A_530, %get3A_531] {strides = array<i32>} : memref<4x128xi32, #tpu.memory_space<vmem>>, vector<1x16xi32>,
        %get3A_533 = vector.shape_cast %get3A_532 : vector<1x16xi32> to vector<16xi32>
        %mul3A_534 = arith.constant 576 : i32
        %mul3A_535 = vector.broadcast %mul3A_534 : i32 to vector<16xi32>
        %mul3A_536 = arith.muli %get3A_533, %mul3A_535 : vector<16xi32>
        %get3A_537 = arith.constant 1 : i32
        %get3A_538 = arith.index_cast %get3A_537 : i32 to index
        %get3A_539 = arith.index_cast %mul3A_529 : i32 to index
        %get3A_540 = tpu.vector_load %arg18[%get3A_538, %get3A_539] {strides = array<i32>} : memref<4x128xi32, #tpu.memory_space<vmem>>, vector<1x16xi32>,
        %get3A_541 = vector.shape_cast %get3A_540 : vector<1x16xi32> to vector<16xi32>
        %mul3A_542 = arith.constant 24 : i32
        %mul3A_543 = vector.broadcast %mul3A_542 : i32 to vector<16xi32>
        %mul3A_544 = arith.muli %get3A_541, %mul3A_543 : vector<16xi32>
        %add3A_545 = arith.addi %mul3A_536, %mul3A_544 : vector<16xi32>
        %get3A_546 = arith.constant 1 : i32
        %get3A_547 = arith.index_cast %get3A_546 : i32 to index
        %get3A_548 = arith.index_cast %mul3A_529 : i32 to index
        %get3A_549 = tpu.vector_load %arg19[%get3A_547, %get3A_548] {strides = array<i32>} : memref<4x128xi32, #tpu.memory_space<vmem>>, vector<1x16xi32>,
        %get3A_550 = vector.shape_cast %get3A_549 : vector<1x16xi32> to vector<16xi32>
        %add3A_551 = arith.addi %add3A_545, %get3A_550 : vector<16xi32>
        %swap3A = arith.constant 1 : i32
        %swap3A_552 = arith.index_cast %swap3A : i32 to index
        %swap3A_553 = arith.index_cast %mul3A_529 : i32 to index
        %swap3A_554 = tpu.vector_load %arg20[%swap3A_552, %swap3A_553] {strides = array<i32>} : memref<4x128xi32, #tpu.memory_space<vmem>>, vector<1x16xi32>,
        %swap3A_555 = vector.shape_cast %swap3A_554 : vector<1x16xi32> to vector<16xi32>
        %swap3A_556 = vector.shape_cast %add3A_551 : vector<16xi32> to vector<1x16xi32>
        tpu.vector_store %arg20[%swap3A_552, %swap3A_553], %swap3A_556 {strides = array<i32>} : memref<4x128xi32, #tpu.memory_space<vmem>>, vector<1x16xi32>,
      }
      %scan3A_341 = arith.constant 8 : i32
      %scan3A_342 = arith.constant 0 : i32
      %scan3A_343 = arith.constant 0 : i32
      %scan3A_344 = arith.constant 8 : i32
      %scan3A_345 = arith.addi %scan3A_343, %scan3A_344 : i32
      %scan3A_346 = arith.constant 1 : i32
      scf.for %scan3A_527 = %scan3A_343 to %scan3A_345 step %scan3A_346  : i32 {
        %mul3A_528 = arith.constant 16 : i32
        %mul3A_529 = arith.muli %scan3A_527, %mul3A_528 : i32
        %get3A = arith.constant 2 : i32
        %get3A_530 = arith.index_cast %get3A : i32 to index
        %get3A_531 = arith.index_cast %mul3A_529 : i32 to index
        %get3A_532 = tpu.vector_load %arg17[%get3A_530, %get3A_531] {strides = array<i32>} : memref<4x128xi32, #tpu.memory_space<vmem>>, vector<1x16xi32>,
        %get3A_533 = vector.shape_cast %get3A_532 : vector<1x16xi32> to vector<16xi32>
        %mul3A_534 = arith.constant 576 : i32
        %mul3A_535 = vector.broadcast %mul3A_534 : i32 to vector<16xi32>
        %mul3A_536 = arith.muli %get3A_533, %mul3A_535 : vector<16xi32>
        %get3A_537 = arith.constant 2 : i32
        %get3A_538 = arith.index_cast %get3A_537 : i32 to index
        %get3A_539 = arith.index_cast %mul3A_529 : i32 to index
        %get3A_540 = tpu.vector_load %arg18[%get3A_538, %get3A_539] {strides = array<i32>} : memref<4x128xi32, #tpu.memory_space<vmem>>, vector<1x16xi32>,
        %get3A_541 = vector.shape_cast %get3A_540 : vector<1x16xi32> to vector<16xi32>
        %mul3A_542 = arith.constant 24 : i32
        %mul3A_543 = vector.broadcast %mul3A_542 : i32 to vector<16xi32>
        %mul3A_544 = arith.muli %get3A_541, %mul3A_543 : vector<16xi32>
        %add3A_545 = arith.addi %mul3A_536, %mul3A_544 : vector<16xi32>
        %get3A_546 = arith.constant 2 : i32
        %get3A_547 = arith.index_cast %get3A_546 : i32 to index
        %get3A_548 = arith.index_cast %mul3A_529 : i32 to index
        %get3A_549 = tpu.vector_load %arg19[%get3A_547, %get3A_548] {strides = array<i32>} : memref<4x128xi32, #tpu.memory_space<vmem>>, vector<1x16xi32>,
        %get3A_550 = vector.shape_cast %get3A_549 : vector<1x16xi32> to vector<16xi32>
        %add3A_551 = arith.addi %add3A_545, %get3A_550 : vector<16xi32>
        %swap3A = arith.constant 2 : i32
        %swap3A_552 = arith.index_cast %swap3A : i32 to index
        %swap3A_553 = arith.index_cast %mul3A_529 : i32 to index
        %swap3A_554 = tpu.vector_load %arg20[%swap3A_552, %swap3A_553] {strides = array<i32>} : memref<4x128xi32, #tpu.memory_space<vmem>>, vector<1x16xi32>,
        %swap3A_555 = vector.shape_cast %swap3A_554 : vector<1x16xi32> to vector<16xi32>
        %swap3A_556 = vector.shape_cast %add3A_551 : vector<16xi32> to vector<1x16xi32>
        tpu.vector_store %arg20[%swap3A_552, %swap3A_553], %swap3A_556 {strides = array<i32>} : memref<4x128xi32, #tpu.memory_space<vmem>>, vector<1x16xi32>,
      }
      %scan3A_347 = arith.constant 8 : i32
      %scan3A_348 = arith.constant 0 : i32
      %scan3A_349 = arith.constant 0 : i32
      %scan3A_350 = arith.constant 8 : i32
      %scan3A_351 = arith.addi %scan3A_349, %scan3A_350 : i32
      %scan3A_352 = arith.constant 1 : i32
      scf.for %scan3A_527 = %scan3A_349 to %scan3A_351 step %scan3A_352  : i32 {
        %mul3A_528 = arith.constant 16 : i32
        %mul3A_529 = arith.muli %scan3A_527, %mul3A_528 : i32
        %get3A = arith.constant 3 : i32
        %get3A_530 = arith.index_cast %get3A : i32 to index
        %get3A_531 = arith.index_cast %mul3A_529 : i32 to index
        %get3A_532 = tpu.vector_load %arg17[%get3A_530, %get3A_531] {strides = array<i32>} : memref<4x128xi32, #tpu.memory_space<vmem>>, vector<1x16xi32>,
        %get3A_533 = vector.shape_cast %get3A_532 : vector<1x16xi32> to vector<16xi32>
        %mul3A_534 = arith.constant 576 : i32
        %mul3A_535 = vector.broadcast %mul3A_534 : i32 to vector<16xi32>
        %mul3A_536 = arith.muli %get3A_533, %mul3A_535 : vector<16xi32>
        %get3A_537 = arith.constant 3 : i32
        %get3A_538 = arith.index_cast %get3A_537 : i32 to index
        %get3A_539 = arith.index_cast %mul3A_529 : i32 to index
        %get3A_540 = tpu.vector_load %arg18[%get3A_538, %get3A_539] {strides = array<i32>} : memref<4x128xi32, #tpu.memory_space<vmem>>, vector<1x16xi32>,
        %get3A_541 = vector.shape_cast %get3A_540 : vector<1x16xi32> to vector<16xi32>
        %mul3A_542 = arith.constant 24 : i32
        %mul3A_543 = vector.broadcast %mul3A_542 : i32 to vector<16xi32>
        %mul3A_544 = arith.muli %get3A_541, %mul3A_543 : vector<16xi32>
        %add3A_545 = arith.addi %mul3A_536, %mul3A_544 : vector<16xi32>
        %get3A_546 = arith.constant 3 : i32
        %get3A_547 = arith.index_cast %get3A_546 : i32 to index
        %get3A_548 = arith.index_cast %mul3A_529 : i32 to index
        %get3A_549 = tpu.vector_load %arg19[%get3A_547, %get3A_548] {strides = array<i32>} : memref<4x128xi32, #tpu.memory_space<vmem>>, vector<1x16xi32>,
        %get3A_550 = vector.shape_cast %get3A_549 : vector<1x16xi32> to vector<16xi32>
        %add3A_551 = arith.addi %add3A_545, %get3A_550 : vector<16xi32>
        %swap3A = arith.constant 3 : i32
        %swap3A_552 = arith.index_cast %swap3A : i32 to index
        %swap3A_553 = arith.index_cast %mul3A_529 : i32 to index
        %swap3A_554 = tpu.vector_load %arg20[%swap3A_552, %swap3A_553] {strides = array<i32>} : memref<4x128xi32, #tpu.memory_space<vmem>>, vector<1x16xi32>,
        %swap3A_555 = vector.shape_cast %swap3A_554 : vector<1x16xi32> to vector<16xi32>
        %swap3A_556 = vector.shape_cast %add3A_551 : vector<16xi32> to vector<1x16xi32>
        tpu.vector_store %arg20[%swap3A_552, %swap3A_553], %swap3A_556 {strides = array<i32>} : memref<4x128xi32, #tpu.memory_space<vmem>>, vector<1x16xi32>,
      }
      %scan3A_353 = arith.constant 8 : i32
      %dma_start3A_354 = arith.constant 0 : i32
      %dma_start3A_355 = arith.constant 0 : i32
      %dma_start3A_356 = arith.constant 0 : i32
      %dma_start3A_357 = tpu.memref_slice %arg21[%dma_start3A_355, %dma_start3A_356] : memref<512x64xf32, #tpu.memory_space<vmem>> -> memref<128x64xf32, #tpu.memory_space<vmem>>
      %dma_start3A_358 = arith.constant 0 : i32
      %dma_start3A_359 = tpu.memref_slice %arg16[%dma_start3A_354, %dma_start3A_358] : memref<4x128xi32, #tpu.memory_space<vmem>> -> memref<1x128xi32, #tpu.memory_space<vmem>>
      %dma_start3A_360 = tpu.memref_squeeze %dma_start3A_359 : memref<1x128xi32, #tpu.memory_space<vmem>> -> memref<128xi32, #tpu.memory_space<vmem>>
      %dma_start3A_361 = arith.constant 0 : i32
      %dma_start3A_362 = arith.constant 0 : i32
      %dma_start3A_363 = tpu.memref_slice %arg6[%dma_start3A_361, %dma_start3A_362] : memref<1000000x64xf32, #tpu.memory_space<hbm>> -> memref<1000000x64xf32, #tpu.memory_space<hbm>>
      tpu.enqueue_indirect_dma source(%dma_start3A_363 : memref<1000000x64xf32, #tpu.memory_space<hbm>>) target(%dma_start3A_357 : memref<128x64xf32, #tpu.memory_space<vmem>>) offsets(%dma_start3A_360 : memref<128xi32, #tpu.memory_space<vmem>>) semaphore(%arg26 : memref<!tpu.dma_semaphore, #tpu.memory_space<semaphore_mem>>)
      %dma_start3A_364 = arith.constant 0 : i32
      %dma_start3A_365 = arith.constant 0 : i32
      %dma_start3A_366 = arith.constant 0 : i32
      %dma_start3A_367 = tpu.memref_slice %arg22[%dma_start3A_365, %dma_start3A_366] : memref<512x48xf32, #tpu.memory_space<vmem>> -> memref<128x48xf32, #tpu.memory_space<vmem>>
      %dma_start3A_368 = arith.constant 0 : i32
      %dma_start3A_369 = tpu.memref_slice %arg20[%dma_start3A_364, %dma_start3A_368] : memref<4x128xi32, #tpu.memory_space<vmem>> -> memref<1x128xi32, #tpu.memory_space<vmem>>
      %dma_start3A_370 = tpu.memref_squeeze %dma_start3A_369 : memref<1x128xi32, #tpu.memory_space<vmem>> -> memref<128xi32, #tpu.memory_space<vmem>>
      %dma_start3A_371 = arith.constant 0 : i32
      %dma_start3A_372 = arith.constant 0 : i32
      %dma_start3A_373 = tpu.memref_slice %arg7[%dma_start3A_371, %dma_start3A_372] : memref<4032x48xf32, #tpu.memory_space<hbm>> -> memref<4032x48xf32, #tpu.memory_space<hbm>>
      tpu.enqueue_indirect_dma source(%dma_start3A_373 : memref<4032x48xf32, #tpu.memory_space<hbm>>) target(%dma_start3A_367 : memref<128x48xf32, #tpu.memory_space<vmem>>) offsets(%dma_start3A_370 : memref<128xi32, #tpu.memory_space<vmem>>) semaphore(%arg26 : memref<!tpu.dma_semaphore, #tpu.memory_space<semaphore_mem>>)
      %dma_start3A_374 = arith.constant 1 : i32
      %dma_start3A_375 = arith.constant 128 : i32
      %dma_start3A_376 = arith.constant 0 : i32
      %dma_start3A_377 = tpu.memref_slice %arg21[%dma_start3A_375, %dma_start3A_376] : memref<512x64xf32, #tpu.memory_space<vmem>> -> memref<128x64xf32, #tpu.memory_space<vmem>>
      %dma_start3A_378 = arith.constant 0 : i32
      %dma_start3A_379 = tpu.memref_slice %arg16[%dma_start3A_374, %dma_start3A_378] : memref<4x128xi32, #tpu.memory_space<vmem>> -> memref<1x128xi32, #tpu.memory_space<vmem>>
      %dma_start3A_380 = tpu.memref_squeeze %dma_start3A_379 : memref<1x128xi32, #tpu.memory_space<vmem>> -> memref<128xi32, #tpu.memory_space<vmem>>
      %dma_start3A_381 = arith.constant 0 : i32
      %dma_start3A_382 = arith.constant 0 : i32
      %dma_start3A_383 = tpu.memref_slice %arg6[%dma_start3A_381, %dma_start3A_382] : memref<1000000x64xf32, #tpu.memory_space<hbm>> -> memref<1000000x64xf32, #tpu.memory_space<hbm>>
      tpu.enqueue_indirect_dma source(%dma_start3A_383 : memref<1000000x64xf32, #tpu.memory_space<hbm>>) target(%dma_start3A_377 : memref<128x64xf32, #tpu.memory_space<vmem>>) offsets(%dma_start3A_380 : memref<128xi32, #tpu.memory_space<vmem>>) semaphore(%arg26 : memref<!tpu.dma_semaphore, #tpu.memory_space<semaphore_mem>>)
      %dma_start3A_384 = arith.constant 1 : i32
      %dma_start3A_385 = arith.constant 128 : i32
      %dma_start3A_386 = arith.constant 0 : i32
      %dma_start3A_387 = tpu.memref_slice %arg22[%dma_start3A_385, %dma_start3A_386] : memref<512x48xf32, #tpu.memory_space<vmem>> -> memref<128x48xf32, #tpu.memory_space<vmem>>
      %dma_start3A_388 = arith.constant 0 : i32
      %dma_start3A_389 = tpu.memref_slice %arg20[%dma_start3A_384, %dma_start3A_388] : memref<4x128xi32, #tpu.memory_space<vmem>> -> memref<1x128xi32, #tpu.memory_space<vmem>>
      %dma_start3A_390 = tpu.memref_squeeze %dma_start3A_389 : memref<1x128xi32, #tpu.memory_space<vmem>> -> memref<128xi32, #tpu.memory_space<vmem>>
      %dma_start3A_391 = arith.constant 0 : i32
      %dma_start3A_392 = arith.constant 0 : i32
      %dma_start3A_393 = tpu.memref_slice %arg7[%dma_start3A_391, %dma_start3A_392] : memref<4032x48xf32, #tpu.memory_space<hbm>> -> memref<4032x48xf32, #tpu.memory_space<hbm>>
      tpu.enqueue_indirect_dma source(%dma_start3A_393 : memref<4032x48xf32, #tpu.memory_space<hbm>>) target(%dma_start3A_387 : memref<128x48xf32, #tpu.memory_space<vmem>>) offsets(%dma_start3A_390 : memref<128xi32, #tpu.memory_space<vmem>>) semaphore(%arg26 : memref<!tpu.dma_semaphore, #tpu.memory_space<semaphore_mem>>)
      %dma_start3A_394 = arith.constant 2 : i32
      %dma_start3A_395 = arith.constant 256 : i32
      %dma_start3A_396 = arith.constant 0 : i32
      %dma_start3A_397 = tpu.memref_slice %arg21[%dma_start3A_395, %dma_start3A_396] : memref<512x64xf32, #tpu.memory_space<vmem>> -> memref<128x64xf32, #tpu.memory_space<vmem>>
      %dma_start3A_398 = arith.constant 0 : i32
      %dma_start3A_399 = tpu.memref_slice %arg16[%dma_start3A_394, %dma_start3A_398] : memref<4x128xi32, #tpu.memory_space<vmem>> -> memref<1x128xi32, #tpu.memory_space<vmem>>
      %dma_start3A_400 = tpu.memref_squeeze %dma_start3A_399 : memref<1x128xi32, #tpu.memory_space<vmem>> -> memref<128xi32, #tpu.memory_space<vmem>>
      %dma_start3A_401 = arith.constant 0 : i32
      %dma_start3A_402 = arith.constant 0 : i32
      %dma_start3A_403 = tpu.memref_slice %arg6[%dma_start3A_401, %dma_start3A_402] : memref<1000000x64xf32, #tpu.memory_space<hbm>> -> memref<1000000x64xf32, #tpu.memory_space<hbm>>
      tpu.enqueue_indirect_dma source(%dma_start3A_403 : memref<1000000x64xf32, #tpu.memory_space<hbm>>) target(%dma_start3A_397 : memref<128x64xf32, #tpu.memory_space<vmem>>) offsets(%dma_start3A_400 : memref<128xi32, #tpu.memory_space<vmem>>) semaphore(%arg26 : memref<!tpu.dma_semaphore, #tpu.memory_space<semaphore_mem>>)
      %dma_start3A_404 = arith.constant 2 : i32
      %dma_start3A_405 = arith.constant 256 : i32
      %dma_start3A_406 = arith.constant 0 : i32
      %dma_start3A_407 = tpu.memref_slice %arg22[%dma_start3A_405, %dma_start3A_406] : memref<512x48xf32, #tpu.memory_space<vmem>> -> memref<128x48xf32, #tpu.memory_space<vmem>>
      %dma_start3A_408 = arith.constant 0 : i32
      %dma_start3A_409 = tpu.memref_slice %arg20[%dma_start3A_404, %dma_start3A_408] : memref<4x128xi32, #tpu.memory_space<vmem>> -> memref<1x128xi32, #tpu.memory_space<vmem>>
      %dma_start3A_410 = tpu.memref_squeeze %dma_start3A_409 : memref<1x128xi32, #tpu.memory_space<vmem>> -> memref<128xi32, #tpu.memory_space<vmem>>
      %dma_start3A_411 = arith.constant 0 : i32
      %dma_start3A_412 = arith.constant 0 : i32
      %dma_start3A_413 = tpu.memref_slice %arg7[%dma_start3A_411, %dma_start3A_412] : memref<4032x48xf32, #tpu.memory_space<hbm>> -> memref<4032x48xf32, #tpu.memory_space<hbm>>
      tpu.enqueue_indirect_dma source(%dma_start3A_413 : memref<4032x48xf32, #tpu.memory_space<hbm>>) target(%dma_start3A_407 : memref<128x48xf32, #tpu.memory_space<vmem>>) offsets(%dma_start3A_410 : memref<128xi32, #tpu.memory_space<vmem>>) semaphore(%arg26 : memref<!tpu.dma_semaphore, #tpu.memory_space<semaphore_mem>>)
      %dma_start3A_414 = arith.constant 3 : i32
      %dma_start3A_415 = arith.constant 384 : i32
      %dma_start3A_416 = arith.constant 0 : i32
      %dma_start3A_417 = tpu.memref_slice %arg21[%dma_start3A_415, %dma_start3A_416] : memref<512x64xf32, #tpu.memory_space<vmem>> -> memref<128x64xf32, #tpu.memory_space<vmem>>
      %dma_start3A_418 = arith.constant 0 : i32
      %dma_start3A_419 = tpu.memref_slice %arg16[%dma_start3A_414, %dma_start3A_418] : memref<4x128xi32, #tpu.memory_space<vmem>> -> memref<1x128xi32, #tpu.memory_space<vmem>>
      %dma_start3A_420 = tpu.memref_squeeze %dma_start3A_419 : memref<1x128xi32, #tpu.memory_space<vmem>> -> memref<128xi32, #tpu.memory_space<vmem>>
      %dma_start3A_421 = arith.constant 0 : i32
      %dma_start3A_422 = arith.constant 0 : i32
      %dma_start3A_423 = tpu.memref_slice %arg6[%dma_start3A_421, %dma_start3A_422] : memref<1000000x64xf32, #tpu.memory_space<hbm>> -> memref<1000000x64xf32, #tpu.memory_space<hbm>>
      tpu.enqueue_indirect_dma source(%dma_start3A_423 : memref<1000000x64xf32, #tpu.memory_space<hbm>>) target(%dma_start3A_417 : memref<128x64xf32, #tpu.memory_space<vmem>>) offsets(%dma_start3A_420 : memref<128xi32, #tpu.memory_space<vmem>>) semaphore(%arg26 : memref<!tpu.dma_semaphore, #tpu.memory_space<semaphore_mem>>)
      %dma_start3A_424 = arith.constant 3 : i32
      %dma_start3A_425 = arith.constant 384 : i32
      %dma_start3A_426 = arith.constant 0 : i32
      %dma_start3A_427 = tpu.memref_slice %arg22[%dma_start3A_425, %dma_start3A_426] : memref<512x48xf32, #tpu.memory_space<vmem>> -> memref<128x48xf32, #tpu.memory_space<vmem>>
      %dma_start3A_428 = arith.constant 0 : i32
      %dma_start3A_429 = tpu.memref_slice %arg20[%dma_start3A_424, %dma_start3A_428] : memref<4x128xi32, #tpu.memory_space<vmem>> -> memref<1x128xi32, #tpu.memory_space<vmem>>
      %dma_start3A_430 = tpu.memref_squeeze %dma_start3A_429 : memref<1x128xi32, #tpu.memory_space<vmem>> -> memref<128xi32, #tpu.memory_space<vmem>>
      %dma_start3A_431 = arith.constant 0 : i32
      %dma_start3A_432 = arith.constant 0 : i32
      %dma_start3A_433 = tpu.memref_slice %arg7[%dma_start3A_431, %dma_start3A_432] : memref<4032x48xf32, #tpu.memory_space<hbm>> -> memref<4032x48xf32, #tpu.memory_space<hbm>>
      tpu.enqueue_indirect_dma source(%dma_start3A_433 : memref<4032x48xf32, #tpu.memory_space<hbm>>) target(%dma_start3A_427 : memref<128x48xf32, #tpu.memory_space<vmem>>) offsets(%dma_start3A_430 : memref<128xi32, #tpu.memory_space<vmem>>) semaphore(%arg26 : memref<!tpu.dma_semaphore, #tpu.memory_space<semaphore_mem>>)
      %dma_wait3A_434 = arith.constant 0 : i32
      %dma_wait3A_435 = arith.constant 0 : i32
      %dma_wait3A_436 = arith.constant 0 : i32
      %dma_wait3A_437 = tpu.memref_slice %arg21[%dma_wait3A_435, %dma_wait3A_436] : memref<512x64xf32, #tpu.memory_space<vmem>> -> memref<128x64xf32, #tpu.memory_space<vmem>>
      %dma_wait3A_438 = arith.constant 0 : i32
      %dma_wait3A_439 = tpu.memref_slice %arg16[%dma_wait3A_434, %dma_wait3A_438] : memref<4x128xi32, #tpu.memory_space<vmem>> -> memref<1x128xi32, #tpu.memory_space<vmem>>
      %dma_wait3A_440 = tpu.memref_squeeze %dma_wait3A_439 : memref<1x128xi32, #tpu.memory_space<vmem>> -> memref<128xi32, #tpu.memory_space<vmem>>
      %dma_wait3A_441 = arith.constant 0 : i32
      %dma_wait3A_442 = arith.constant 0 : i32
      %dma_wait3A_443 = tpu.memref_slice %arg6[%dma_wait3A_441, %dma_wait3A_442] : memref<1000000x64xf32, #tpu.memory_space<hbm>> -> memref<1000000x64xf32, #tpu.memory_space<hbm>>
      tpu.wait_indirect_dma semaphore(%arg26 : memref<!tpu.dma_semaphore, #tpu.memory_space<semaphore_mem>>) src(%dma_wait3A_443 : memref<1000000x64xf32, #tpu.memory_space<hbm>>) dst(%dma_wait3A_437 : memref<128x64xf32, #tpu.memory_space<vmem>>)
      %dma_wait3A_444 = arith.constant 0 : i32
      %dma_wait3A_445 = arith.constant 0 : i32
      %dma_wait3A_446 = arith.constant 0 : i32
      %dma_wait3A_447 = tpu.memref_slice %arg22[%dma_wait3A_445, %dma_wait3A_446] : memref<512x48xf32, #tpu.memory_space<vmem>> -> memref<128x48xf32, #tpu.memory_space<vmem>>
      %dma_wait3A_448 = arith.constant 0 : i32
      %dma_wait3A_449 = tpu.memref_slice %arg20[%dma_wait3A_444, %dma_wait3A_448] : memref<4x128xi32, #tpu.memory_space<vmem>> -> memref<1x128xi32, #tpu.memory_space<vmem>>
      %dma_wait3A_450 = tpu.memref_squeeze %dma_wait3A_449 : memref<1x128xi32, #tpu.memory_space<vmem>> -> memref<128xi32, #tpu.memory_space<vmem>>
      %dma_wait3A_451 = arith.constant 0 : i32
      %dma_wait3A_452 = arith.constant 0 : i32
      %dma_wait3A_453 = tpu.memref_slice %arg7[%dma_wait3A_451, %dma_wait3A_452] : memref<4032x48xf32, #tpu.memory_space<hbm>> -> memref<4032x48xf32, #tpu.memory_space<hbm>>
      tpu.wait_indirect_dma semaphore(%arg26 : memref<!tpu.dma_semaphore, #tpu.memory_space<semaphore_mem>>) src(%dma_wait3A_453 : memref<4032x48xf32, #tpu.memory_space<hbm>>) dst(%dma_wait3A_447 : memref<128x48xf32, #tpu.memory_space<vmem>>)
      %dma_wait3A_454 = arith.constant 1 : i32
      %dma_wait3A_455 = arith.constant 128 : i32
      %dma_wait3A_456 = arith.constant 0 : i32
      %dma_wait3A_457 = tpu.memref_slice %arg21[%dma_wait3A_455, %dma_wait3A_456] : memref<512x64xf32, #tpu.memory_space<vmem>> -> memref<128x64xf32, #tpu.memory_space<vmem>>
      %dma_wait3A_458 = arith.constant 0 : i32
      %dma_wait3A_459 = tpu.memref_slice %arg16[%dma_wait3A_454, %dma_wait3A_458] : memref<4x128xi32, #tpu.memory_space<vmem>> -> memref<1x128xi32, #tpu.memory_space<vmem>>
      %dma_wait3A_460 = tpu.memref_squeeze %dma_wait3A_459 : memref<1x128xi32, #tpu.memory_space<vmem>> -> memref<128xi32, #tpu.memory_space<vmem>>
      %dma_wait3A_461 = arith.constant 0 : i32
      %dma_wait3A_462 = arith.constant 0 : i32
      %dma_wait3A_463 = tpu.memref_slice %arg6[%dma_wait3A_461, %dma_wait3A_462] : memref<1000000x64xf32, #tpu.memory_space<hbm>> -> memref<1000000x64xf32, #tpu.memory_space<hbm>>
      tpu.wait_indirect_dma semaphore(%arg26 : memref<!tpu.dma_semaphore, #tpu.memory_space<semaphore_mem>>) src(%dma_wait3A_463 : memref<1000000x64xf32, #tpu.memory_space<hbm>>) dst(%dma_wait3A_457 : memref<128x64xf32, #tpu.memory_space<vmem>>)
      %dma_wait3A_464 = arith.constant 1 : i32
      %dma_wait3A_465 = arith.constant 128 : i32
      %dma_wait3A_466 = arith.constant 0 : i32
      %dma_wait3A_467 = tpu.memref_slice %arg22[%dma_wait3A_465, %dma_wait3A_466] : memref<512x48xf32, #tpu.memory_space<vmem>> -> memref<128x48xf32, #tpu.memory_space<vmem>>
      %dma_wait3A_468 = arith.constant 0 : i32
      %dma_wait3A_469 = tpu.memref_slice %arg20[%dma_wait3A_464, %dma_wait3A_468] : memref<4x128xi32, #tpu.memory_space<vmem>> -> memref<1x128xi32, #tpu.memory_space<vmem>>
      %dma_wait3A_470 = tpu.memref_squeeze %dma_wait3A_469 : memref<1x128xi32, #tpu.memory_space<vmem>> -> memref<128xi32, #tpu.memory_space<vmem>>
      %dma_wait3A_471 = arith.constant 0 : i32
      %dma_wait3A_472 = arith.constant 0 : i32
      %dma_wait3A_473 = tpu.memref_slice %arg7[%dma_wait3A_471, %dma_wait3A_472] : memref<4032x48xf32, #tpu.memory_space<hbm>> -> memref<4032x48xf32, #tpu.memory_space<hbm>>
      tpu.wait_indirect_dma semaphore(%arg26 : memref<!tpu.dma_semaphore, #tpu.memory_space<semaphore_mem>>) src(%dma_wait3A_473 : memref<4032x48xf32, #tpu.memory_space<hbm>>) dst(%dma_wait3A_467 : memref<128x48xf32, #tpu.memory_space<vmem>>)
      %dma_wait3A_474 = arith.constant 2 : i32
      %dma_wait3A_475 = arith.constant 256 : i32
      %dma_wait3A_476 = arith.constant 0 : i32
      %dma_wait3A_477 = tpu.memref_slice %arg21[%dma_wait3A_475, %dma_wait3A_476] : memref<512x64xf32, #tpu.memory_space<vmem>> -> memref<128x64xf32, #tpu.memory_space<vmem>>
      %dma_wait3A_478 = arith.constant 0 : i32
      %dma_wait3A_479 = tpu.memref_slice %arg16[%dma_wait3A_474, %dma_wait3A_478] : memref<4x128xi32, #tpu.memory_space<vmem>> -> memref<1x128xi32, #tpu.memory_space<vmem>>
      %dma_wait3A_480 = tpu.memref_squeeze %dma_wait3A_479 : memref<1x128xi32, #tpu.memory_space<vmem>> -> memref<128xi32, #tpu.memory_space<vmem>>
      %dma_wait3A_481 = arith.constant 0 : i32
      %dma_wait3A_482 = arith.constant 0 : i32
      %dma_wait3A_483 = tpu.memref_slice %arg6[%dma_wait3A_481, %dma_wait3A_482] : memref<1000000x64xf32, #tpu.memory_space<hbm>> -> memref<1000000x64xf32, #tpu.memory_space<hbm>>
      tpu.wait_indirect_dma semaphore(%arg26 : memref<!tpu.dma_semaphore, #tpu.memory_space<semaphore_mem>>) src(%dma_wait3A_483 : memref<1000000x64xf32, #tpu.memory_space<hbm>>) dst(%dma_wait3A_477 : memref<128x64xf32, #tpu.memory_space<vmem>>)
      %dma_wait3A_484 = arith.constant 2 : i32
      %dma_wait3A_485 = arith.constant 256 : i32
      %dma_wait3A_486 = arith.constant 0 : i32
      %dma_wait3A_487 = tpu.memref_slice %arg22[%dma_wait3A_485, %dma_wait3A_486] : memref<512x48xf32, #tpu.memory_space<vmem>> -> memref<128x48xf32, #tpu.memory_space<vmem>>
      %dma_wait3A_488 = arith.constant 0 : i32
      %dma_wait3A_489 = tpu.memref_slice %arg20[%dma_wait3A_484, %dma_wait3A_488] : memref<4x128xi32, #tpu.memory_space<vmem>> -> memref<1x128xi32, #tpu.memory_space<vmem>>
      %dma_wait3A_490 = tpu.memref_squeeze %dma_wait3A_489 : memref<1x128xi32, #tpu.memory_space<vmem>> -> memref<128xi32, #tpu.memory_space<vmem>>
      %dma_wait3A_491 = arith.constant 0 : i32
      %dma_wait3A_492 = arith.constant 0 : i32
      %dma_wait3A_493 = tpu.memref_slice %arg7[%dma_wait3A_491, %dma_wait3A_492] : memref<4032x48xf32, #tpu.memory_space<hbm>> -> memref<4032x48xf32, #tpu.memory_space<hbm>>
      tpu.wait_indirect_dma semaphore(%arg26 : memref<!tpu.dma_semaphore, #tpu.memory_space<semaphore_mem>>) src(%dma_wait3A_493 : memref<4032x48xf32, #tpu.memory_space<hbm>>) dst(%dma_wait3A_487 : memref<128x48xf32, #tpu.memory_space<vmem>>)
      %dma_wait3A_494 = arith.constant 3 : i32
      %dma_wait3A_495 = arith.constant 384 : i32
      %dma_wait3A_496 = arith.constant 0 : i32
      %dma_wait3A_497 = tpu.memref_slice %arg21[%dma_wait3A_495, %dma_wait3A_496] : memref<512x64xf32, #tpu.memory_space<vmem>> -> memref<128x64xf32, #tpu.memory_space<vmem>>
      %dma_wait3A_498 = arith.constant 0 : i32
      %dma_wait3A_499 = tpu.memref_slice %arg16[%dma_wait3A_494, %dma_wait3A_498] : memref<4x128xi32, #tpu.memory_space<vmem>> -> memref<1x128xi32, #tpu.memory_space<vmem>>
      %dma_wait3A_500 = tpu.memref_squeeze %dma_wait3A_499 : memref<1x128xi32, #tpu.memory_space<vmem>> -> memref<128xi32, #tpu.memory_space<vmem>>
      %dma_wait3A_501 = arith.constant 0 : i32
      %dma_wait3A_502 = arith.constant 0 : i32
      %dma_wait3A_503 = tpu.memref_slice %arg6[%dma_wait3A_501, %dma_wait3A_502] : memref<1000000x64xf32, #tpu.memory_space<hbm>> -> memref<1000000x64xf32, #tpu.memory_space<hbm>>
      tpu.wait_indirect_dma semaphore(%arg26 : memref<!tpu.dma_semaphore, #tpu.memory_space<semaphore_mem>>) src(%dma_wait3A_503 : memref<1000000x64xf32, #tpu.memory_space<hbm>>) dst(%dma_wait3A_497 : memref<128x64xf32, #tpu.memory_space<vmem>>)
      %dma_wait3A_504 = arith.constant 3 : i32
      %dma_wait3A_505 = arith.constant 384 : i32
      %dma_wait3A_506 = arith.constant 0 : i32
      %dma_wait3A_507 = tpu.memref_slice %arg22[%dma_wait3A_505, %dma_wait3A_506] : memref<512x48xf32, #tpu.memory_space<vmem>> -> memref<128x48xf32, #tpu.memory_space<vmem>>
      %dma_wait3A_508 = arith.constant 0 : i32
      %dma_wait3A_509 = tpu.memref_slice %arg20[%dma_wait3A_504, %dma_wait3A_508] : memref<4x128xi32, #tpu.memory_space<vmem>> -> memref<1x128xi32, #tpu.memory_space<vmem>>
      %dma_wait3A_510 = tpu.memref_squeeze %dma_wait3A_509 : memref<1x128xi32, #tpu.memory_space<vmem>> -> memref<128xi32, #tpu.memory_space<vmem>>
      %dma_wait3A_511 = arith.constant 0 : i32
      %dma_wait3A_512 = arith.constant 0 : i32
      %dma_wait3A_513 = tpu.memref_slice %arg7[%dma_wait3A_511, %dma_wait3A_512] : memref<4032x48xf32, #tpu.memory_space<hbm>> -> memref<4032x48xf32, #tpu.memory_space<hbm>>
      tpu.wait_indirect_dma semaphore(%arg26 : memref<!tpu.dma_semaphore, #tpu.memory_space<semaphore_mem>>) src(%dma_wait3A_513 : memref<4032x48xf32, #tpu.memory_space<hbm>>) dst(%dma_wait3A_507 : memref<128x48xf32, #tpu.memory_space<vmem>>)
      %mul3A_514 = arith.constant 4 : i32
      %mul3A_515 = arith.muli %add3A_54, %mul3A_514 : i32
      %add3A_516 = arith.addi %mul3A_2, %mul3A_515 : i32
      %mul3A_517 = arith.constant 128 : i32
      %mul3A_518 = arith.muli %add3A_516, %mul3A_517 : i32
      %dma_start3A_519 = arith.constant 0 : i32
      %dma_start3A_520 = tpu.memref_slice %arg8[%mul3A_518, %dma_start3A_519] : memref<819200x128xf32, #tpu.memory_space<hbm>> -> memref<512x64xf32, #tpu.memory_space<hbm>>
      %dma_start3A_521 = arith.constant 0 : i32
      %dma_start3A_522 = tpu.memref_slice %arg8[%mul3A_518, %dma_start3A_521] : memref<819200x128xf32, #tpu.memory_space<hbm>> -> memref<512x64xf32, #tpu.memory_space<hbm>>
      tpu.enqueue_dma source(%arg21 : memref<512x64xf32, #tpu.memory_space<vmem>>) target(%dma_start3A_522 : memref<512x64xf32, #tpu.memory_space<hbm>>) target_semaphore(%arg28 : memref<!tpu.dma_semaphore, #tpu.memory_space<semaphore_mem>>)
      %dma_start3A_523 = arith.constant 64 : i32
      %dma_start3A_524 = tpu.memref_slice %arg8[%mul3A_518, %dma_start3A_523] : memref<819200x128xf32, #tpu.memory_space<hbm>> -> memref<512x48xf32, #tpu.memory_space<hbm>>
      %dma_start3A_525 = arith.constant 64 : i32
      %dma_start3A_526 = tpu.memref_slice %arg8[%mul3A_518, %dma_start3A_525] : memref<819200x128xf32, #tpu.memory_space<hbm>> -> memref<512x48xf32, #tpu.memory_space<hbm>>
      tpu.enqueue_dma source(%arg22 : memref<512x48xf32, #tpu.memory_space<vmem>>) target(%dma_start3A_526 : memref<512x48xf32, #tpu.memory_space<hbm>>) target_semaphore(%arg28 : memref<!tpu.dma_semaphore, #tpu.memory_space<semaphore_mem>>)
    }
    %scan3A_24 = arith.constant 25 : i32
    %add3A_25 = arith.constant 192 : i32
    %add3A_26 = arith.addi %mul3A_2, %add3A_25 : i32
    %mul3A_27 = arith.constant 128 : i32
    %mul3A_28 = arith.muli %add3A_26, %mul3A_27 : i32
    %dma_wait3A = arith.constant 0 : i32
    %dma_wait3A_29 = tpu.memref_slice %arg8[%mul3A_28, %dma_wait3A] : memref<819200x128xf32, #tpu.memory_space<hbm>> -> memref<512x64xf32, #tpu.memory_space<hbm>>
    %dma_wait3A_30 = arith.constant 0 : i32
    %dma_wait3A_31 = tpu.memref_slice %arg8[%mul3A_28, %dma_wait3A_30] : memref<819200x128xf32, #tpu.memory_space<hbm>> -> memref<512x64xf32, #tpu.memory_space<hbm>>
    tpu.wait_dma2 semaphore(%arg27 : memref<!tpu.dma_semaphore, #tpu.memory_space<semaphore_mem>>) src(%arg14 : memref<512x64xf32, #tpu.memory_space<vmem>>) dst(%dma_wait3A_31 : memref<512x64xf32, #tpu.memory_space<hbm>>)
    %dma_wait3A_32 = arith.constant 64 : i32
    %dma_wait3A_33 = tpu.memref_slice %arg8[%mul3A_28, %dma_wait3A_32] : memref<819200x128xf32, #tpu.memory_space<hbm>> -> memref<512x48xf32, #tpu.memory_space<hbm>>
    %dma_wait3A_34 = arith.constant 64 : i32
    %dma_wait3A_35 = tpu.memref_slice %arg8[%mul3A_28, %dma_wait3A_34] : memref<819200x128xf32, #tpu.memory_space<hbm>> -> memref<512x48xf32, #tpu.memory_space<hbm>>
    tpu.wait_dma2 semaphore(%arg27 : memref<!tpu.dma_semaphore, #tpu.memory_space<semaphore_mem>>) src(%arg15 : memref<512x48xf32, #tpu.memory_space<vmem>>) dst(%dma_wait3A_35 : memref<512x48xf32, #tpu.memory_space<hbm>>)
    %add3A_36 = arith.constant 196 : i32
    %add3A_37 = arith.addi %mul3A_2, %add3A_36 : i32
    %mul3A_38 = arith.constant 128 : i32
    %mul3A_39 = arith.muli %add3A_37, %mul3A_38 : i32
    %dma_wait3A_40 = arith.constant 0 : i32
    %dma_wait3A_41 = tpu.memref_slice %arg8[%mul3A_39, %dma_wait3A_40] : memref<819200x128xf32, #tpu.memory_space<hbm>> -> memref<512x64xf32, #tpu.memory_space<hbm>>
    %dma_wait3A_42 = arith.constant 0 : i32
    %dma_wait3A_43 = tpu.memref_slice %arg8[%mul3A_39, %dma_wait3A_42] : memref<819200x128xf32, #tpu.memory_space<hbm>> -> memref<512x64xf32, #tpu.memory_space<hbm>>
    tpu.wait_dma2 semaphore(%arg28 : memref<!tpu.dma_semaphore, #tpu.memory_space<semaphore_mem>>) src(%arg21 : memref<512x64xf32, #tpu.memory_space<vmem>>) dst(%dma_wait3A_43 : memref<512x64xf32, #tpu.memory_space<hbm>>)
    %dma_wait3A_44 = arith.constant 64 : i32
    %dma_wait3A_45 = tpu.memref_slice %arg8[%mul3A_39, %dma_wait3A_44] : memref<819200x128xf32, #tpu.memory_space<hbm>> -> memref<512x48xf32, #tpu.memory_space<hbm>>
    %dma_wait3A_46 = arith.constant 64 : i32
    %dma_wait3A_47 = tpu.memref_slice %arg8[%mul3A_39, %dma_wait3A_46] : memref<819200x128xf32, #tpu.memory_space<hbm>> -> memref<512x48xf32, #tpu.memory_space<hbm>>
    tpu.wait_dma2 semaphore(%arg28 : memref<!tpu.dma_semaphore, #tpu.memory_space<semaphore_mem>>) src(%arg22 : memref<512x48xf32, #tpu.memory_space<vmem>>) dst(%dma_wait3A_47 : memref<512x48xf32, #tpu.memory_space<hbm>>)
    return
  }
}

</mosaic_0001>

<sc_bundles>
// kernel: kernel.3.cloned.1.call-start
scs
__scs_entry_jumppad:
0x0: {  	(pc) =	sbr.rel $0x88, $3  }
0x1: {  	(tag) =	ssettag $0x0;
	lr =	simm.s32 $0x1  }
0x2: {  	[smem:$0x3F99] =	sst lr;
	_ =	strace $0xD0000000  }
0x3: {  	_ = 	snop  }
0x4: {  	_ = 	snop  }
0x5: {  	_ = 	snop  }
0x6: {  	_ = 	snop  }
0x7: {  	_ = 	snop  }
__scs_overlays_trampoline_lowered:
0x8: {  	[smem:$0x3FA8] =	sst s0  }
0x9: {  	[smem:$0x3FA9] =	sst s1  }
0xa: {  	[smem:$0x3FAA] =	sst s2  }
0xb: {  	[smem:$0x3FAB] =	sst s3  }
0xc: {  	[smem:$0x3FAC] =	sst s4  }
0xd: {  	[smem:$0x3FAD] =	sst s5  }
0xe: {  	[smem:$0x3FAE] =	sst s6  }
0xf: {  	[smem:$0x3FAF] =	sst s7  }
0x10: {  	[smem:$0x3FB0] =	sst s8  }
0x11: {  	[smem:$0x3FB1] =	sst s9;
	s0 =	simm.s32 @!p0 $0x0  }
0x12: {  	s1 =	sld [smem:$0x3F97];
	s0 =	simm.s32 @p0 $0x1  }
0x13: {  	[smem:$0x3FB2] =	sst s0;
	s0 =	simm.s32 @!p1 $0x0  }
0x14: {  	s2 =	sld [smem:$0x3F96];
	s0 =	simm.s32 @p1 $0x1  }
0x15: {  	[smem:$0x3FB3] =	sst s0;
	s0 =	simm.s32 @!p2 $0x0  }
0x16: {  	s3 =	sld [smem:$0x3FDB];
	s0 =	simm.s32 @p2 $0x1  }
0x17: {  	s4 =	simm.s32 $0x1BF5;
	[smem:$0x3FB5] =	sst s0  }
0x18: {  	s0 =	sld [smem:$0x3F98];
	_ =	swait.ge [sflag:s4], $0x0  }
0x19: {  	s7 =	sld [smem:$0x3F99]  }
0x1a: {  	s8 =	sadd.s32 $0xFFFFE003, lr  }
0x1b: {  	s9 =	sadd.s32 $0xFFFFFEF7, lr;
	s5 =	simm.s32 $0xFFFFFFFF;
	p2 =	slt.u32 s8, $0xFFFFF086  }
0x1c: {  	p1 =	slt.u32 s9, $0xF7A;
	s5 =	simm.s32 @!p2 $0x0  }
0x1d: {  	s5 =	simm.s32 @p1 $0x1;
	p0 =	seq.s32 s7, s2  }
0x1e: {  	s7 =	smul.u32 @!p0 $0xF7A, s2;
	p2 =	seq.s32 @!p0 s5, $0x0  }
0x1f: {  	s9 =	smul.u32 $0xF7A, s1;
	s8 =	simm.s32 @!p0 $0x1BF5;
	p2 =	por !p2, p0  }
0x20: {  	[sflag:s8] =	ssyncset.s32 @!p0 $0xFFFFF086;
	s6 =	sadd.s32 @!p0 s3, s7;
	s7 =	simm.s32 @!p0 $0x108  }
0x21: {  	s3 =	sadd.s32 s3, s9;
	s6 =	sadd.s32 @!p0 $0x88, s6;
	s7 =	simm.s32 @p2 $0x1082  }
0x22: {  	[simem:s7], [sflag:s8] =	dma.local @!p0 [hbm:s6], $0xF7A  }
0x23: {  	s9 =	sor.u32 $0xD0000000, s2;
	s6 =	simm.s32 $0x108;
	_ =	swait.ge @!p0 [sflag:s8], $0x0  }
0x24: {  	s3 =	sadd.s32 $0x88, s3;
	s6 =	simm.s32 @!p1 $0x1082;
	[sflag:s4] =	ssyncset.s32 $0xFFFFF086  }
0x25: {  	[simem:s6], [sflag:s4] =	dma.local [hbm:s3], $0xF7A  }
0x26: {  	[smem:$0x3F99] =	sst s1;
	(tag) =	ssettag s2;
	_ =	strace s9  }
0x27: {  	s1 =	sld [smem:$0x3FA9]  }
0x28: {  	s2 =	sld [smem:$0x3FAA]  }
0x29: {  	s4 =	sld [smem:$0x3FAC]  }
0x2a: {  	p0 =	seq.s32 s5, $0x0;
	s5 =	sld [smem:$0x3FAD]  }
0x2b: {  	s6 =	sld [smem:$0x3FAE]  }
0x2c: {  	s7 =	sld [smem:$0x3FAF]  }
0x2d: {  	s3 =	simm.s32 $0x108;
	s8 =	sld [smem:$0x3FB0]  }
0x2e: {  	s3 =	simm.s32 @!p0 $0x1082;
	s9 =	sld [smem:$0x3FB1]  }
0x2f: {  	lr =	sadd.s32 s0, s3;
	s0 =	sld [smem:$0x3FA8]  }
0x30: {  	s3 =	sld [smem:$0x3FAB]  }
0x31: {  	[smem:$0x3FB4] =	sst s10  }
0x32: {  	s10 =	sld [smem:$0x3FB2];
	_ =	sdelay $0x3  }
0x33: {  	p0 =	seq.s32 s10, $0x1;
	s10 =	sld [smem:$0x3FB4];
	_ =	sdelay $0x3  }
0x34: {  	[smem:$0x3FB4] =	sst s10  }
0x35: {  	s10 =	sld [smem:$0x3FB3];
	_ =	sdelay $0x3  }
0x36: {  	p1 =	seq.s32 s10, $0x1;
	s10 =	sld [smem:$0x3FB4];
	_ =	sdelay $0x3  }
0x37: {  	[smem:$0x3FB4] =	sst s10  }
0x38: {  	s10 =	sld [smem:$0x3FB5]  }
0x39: {  	_ = 	snop;
	(pc) =	sbr.ind lr, $3  }
0x3a: {  	_ = 	snop  }
0x3b: {  	_ = 	snop  }
0x3c: {  	p2 =	seq.s32 s10, $0x1;
	s10 =	sld [smem:$0x3FB4]  }
0x3d: {  	_ =	shalt  }
0x3e: {  	_ =	shalt  }
0x3f: {  	_ =	shalt  }
0x40: {  	_ =	shalt  }
0x41: {  	_ =	shalt  }
0x42: {  	_ =	shalt  }
0x43: {  	_ =	shalt  }
0x44: {  	_ =	shalt  }
0x45: {  	_ =	shalt  }
0x46: {  	_ =	shalt  }
0x47: {  	_ =	shalt  }
0x48: {  	_ =	shalt  }
0x49: {  	_ =	shalt  }
0x4a: {  	_ =	shalt  }
0x4b: {  	_ =	shalt  }
0x4c: {  	_ =	shalt  }
0x4d: {  	_ =	shalt  }
0x4e: {  	_ =	shalt  }
0x4f: {  	_ =	shalt  }
0x50: {  	_ =	shalt  }
0x51: {  	_ =	shalt  }
0x52: {  	_ =	shalt  }
0x53: {  	_ =	shalt  }
0x54: {  	_ =	shalt  }
0x55: {  	_ =	shalt  }
0x56: {  	_ =	shalt  }
0x57: {  	_ =	shalt  }
0x58: {  	_ =	shalt  }
0x59: {  	_ =	shalt  }
0x5a: {  	_ =	shalt  }
0x5b: {  	_ =	shalt  }
0x5c: {  	_ =	shalt  }
0x5d: {  	_ =	shalt  }
0x5e: {  	_ =	shalt  }
0x5f: {  	_ =	shalt  }
0x60: {  	_ =	shalt  }
0x61: {  	_ =	shalt  }
0x62: {  	_ =	shalt  }
0x63: {  	_ =	shalt  }
0x64: {  	_ =	shalt  }
0x65: {  	_ =	shalt  }
0x66: {  	_ =	shalt  }
0x67: {  	_ =	shalt  }
0x68: {  	_ =	shalt  }
0x69: {  	_ =	shalt  }
0x6a: {  	_ =	shalt  }
0x6b: {  	_ =	shalt  }
0x6c: {  	_ =	shalt  }
0x6d: {  	_ =	shalt  }
0x6e: {  	_ =	shalt  }
0x6f: {  	_ =	shalt  }
0x70: {  	_ =	shalt  }
0x71: {  	_ =	shalt  }
0x72: {  	_ =	shalt  }
0x73: {  	_ =	shalt  }
0x74: {  	_ =	shalt  }
0x75: {  	_ =	shalt  }
0x76: {  	_ =	shalt  }
0x77: {  	_ =	shalt  }
0x78: {  	_ =	shalt  }
0x79: {  	_ =	shalt  }
0x7a: {  	_ =	shalt  }
0x7b: {  	_ =	shalt  }
0x7c: {  	_ =	shalt  }
0x7d: {  	_ =	shalt  }
0x7e: {  	_ =	shalt  }
0x7f: {  	_ =	shalt  }
0x80: {  	_ =	shalt  }
0x81: {  	_ =	shalt  }
0x82: {  	_ =	shalt  }
0x83: {  	_ =	shalt  }
0x84: {  	_ =	shalt  }
0x85: {  	_ =	shalt  }
0x86: {  	_ =	shalt  }
0x87: {  	_ =	shalt  }
.Lfunc_end0:
.L_simem_size_0:
called_computation.1_lowered:
.L_overlay_start_0:
0x88: {  	s2 =	sld [smem:$0x3FD9]  }
0x89: {  	s3 =	sld [smem:$0x3FFE];
	_ =	sdelay $0x1  }
0x8a: {  	s1 =	srdreg.scid  }
0x8b: {  	s0 =	sand.u32 $0x1, s1  }
0x8c: {  	s17 =	sshll.u32 s0, $0xA;
	s2 =	sadd.s32 s3, s2  }
0x8d: {  	s2 =	sadd.s32 s2, s17  }
0x8e: {  	[smem:$0x3FC0] =	sst s2  }
0x8f: {  	_ = 	snop  }
0x90: {  	s2 =	sld [smem:$0x3FD0];
	(tm) =	ssettm $0x1  }
0x91: {  	s18 =	sld [smem:$0x3FFB];
	_ =	sdelay $0x3  }
0x92: {  	_ =	strace s18  }
0x93: {  	s3 =	sld [smem:$0x3FFC];
	_ =	sdelay $0x3  }
0x94: {  	_ =	strace s3  }
0x95: {  	s3 =	sld [smem:$0x3FFD];
	_ =	sdelay $0x3  }
0x96: {  	_ =	strace s3  }
0x97: {  	_ =	strace $0x8FFFFFFF  }
0x98: {  	s19 =	sld [smem:$0x3FDB];
	_ =	sdelay $0x1  }
0x99: {  	s4 =	simm.s32 $_scs_section_size  }
0x9a: {  	s5 =	simm.s32 $_size__tile_overlayer_lowered;
	s6 =	simm.s32 $_tile_overlayer_lowered  }
0x9b: {  	s22 =	simm.s32 $0x1BFF;
	s21 =	sshll.u32 s6, $0x1;
	s3 =	sadd.s32 s4, s19  }
0x9c: {  	s7 =	simm.s32 $0x0;
	s20 =	sshll.u32 s5, $0x1;
	s5 =	sadd.s32 s21, s3  }
0x9d: {  	[timem:s7], [sflag:s22] =	dma.local [hbm:s5], s20  }
0x9e: {  	_ =	swait.ge [sflag:s22], s20  }
0x9f: {  	s4 =	ssub.s32 $0x0, s20;
	[sflag:s22] =	ssyncset.done $0x0  }
0xa0: {  	[sflag:s22] =	ssyncadd.s32 s4;
	_ =	sdelay $0x1  }
0xa1: {  	s23 =	simm.s32 $0x1B8B  }
0xa2: {  	_ =	swait.ge [sflag:s23], $0x1  }
0xa3: {  	[sflag:s23] =	ssyncset.done $0x0  }
0xa4: {  	s25 =	simm.s32 $0x1B8E;
	s24 =	sld [smem:$0x3FFE];
	[sflag:s23] =	ssyncadd.s32 $0xFFFFFFFF  }
0xa5: {  	s26 =	simm.s32 $execute0_lowered;
	[smem:$0x3FD2] =	sst s25  }
0xa6: {  	s5 =	sshll.u32 s26, $0x1;
	_ =	strace $0x80000046;
	[dreg:$0x1] =	wrdreg $0xFFFFFFFF  }
0xa7: {  	s28 =	simm.s32 $_size_execute0_lowered;
	s3 =	sadd.s32 s3, s5;
	[dreg:$0x0] =	wrdreg $0x0  }
0xa8: {  	s5 =	sshll.u32 s28, $0x1;
	[dreg:$0x2] =	wrdreg s3  }
0xa9: {  	[dreg:$0x3] =	wrdreg s5  }
0xaa: {  	[dreg:$0x4] =	wrdreg $0xC0  }
0xab: {  	_ =	task [dreg:s7], $0x5FFFF  }
0xac: {  	[dreg:$0x1] =	wrdreg $0xFFFFFFFF  }
0xad: {  	[dreg:$0x0] =	wrdreg $0x60  }
0xae: {  	[dreg:$0x2] =	wrdreg s24  }
0xaf: {  	[dreg:$0x3] =	wrdreg s2  }
0xb0: {  	[dreg:$0x4] =	wrdreg $0x9  }
0xb1: {  	_ =	task.clear_ibuf [dreg:s7], $0x5FFFF;
	_ =	strace $0x90000046  }
0xb2: {  	s29 =	simm.s32 $0x9;
	_ =	strace $0x80000048  }
0xb3: {  	_ =	swait.ge [sflag:s29], $0x1  }
0xb4: {  	[sflag:s29] =	ssyncadd.s32 $0xFFFFFFFF  }
0xb5: {  	_ =	strace $0x90000048  }
0xb6: {  	_ =	sfence  }
0xb7: {  	s30 =	sld [smem:$0x0];
	_ =	sdelay $0x2  }
0xb8: {  	s31 =	sshll.u32 s1, $0xD;
	s1 =	sshrl.u32 s1, $0x2  }
0xb9: {  	s3 =	sand.u32 $0x4000, s31;
	s1 =	sadd.s32 s1, s30  }
0xba: {  	s0 =	sor.u32 s3, s0;
	s1 =	sshll.u32 s1, $0x11  }
0xbb: {  	s0 =	sor.u32 s1, s0  }
0xbc: {  	s0 =	sadd.s32 $0x8F2B, s0  }
0xbd: {  	[sflag:s0] =	ssyncadd.remote.s32 $0x1  }
0xbe: {  	_ =	sfence.sel $0xFFFF  }
0xbf: {  	[dreg:$0x0] =	wrdreg $0xFFFFFFFF;
	(pc) =	sbr.abs _section_cstart, $3  }
0xc0: {  	[dreg:$0x1] =	wrdreg $0xFFFFFFFF  }
0xc1: {  	_ =	task.clear_ibuf [dreg:s7], $0x2FFFF;
	_ =	strace $0x9FFFFFFF  }
0xc2: {  	(tm) =	ssettm $0x7FFFFFFF  }
0xc3: {  	_ =	shalt  }
tec
execute0_lowered:
.L_overlay_start_1:
0x0: {  	(tag) =	ssettag $0x1  }
0x1: {  	s0 =	rddreg [dreg:$0x0]  }
0x2: {  	s1 =	srdreg.scid;
	s15 =	stileid.u32  }
0x3: {  	s2 =	rddreg [dreg:$0x1];
	s3 =	simm.s32 $0x0;
	s16 =	simm.s32 $0xF000  }
0x4: {  	s18 =	simm.s32 $0x800;
	s1 =	sand.u32 $0x1, s1;
	s4 =	smul.u32 $0x190, s15  }
0x5: {  	[smem:$0x7FF] =	sst s3;
	s6 =	sadd.s32 $0x7200, s0;
	s7 =	sadd.s32 $0x20200, s0  }
0x6: {  	s8 =	sadd.s32 $0x39200, s0;
	s9 =	sadd.s32 $0x52200, s0;
	s11 =	sadd.s32 $0x6B200, s0  }
0x7: {  	s14 =	sshll.u32 s15, $0x1;
	s5 =	smul.u32 $0xC8, s1;
	_ =	strace $0x80000047  }
0x8: {  	s19 =	ssub.s32 $0x2, s1;
	s23 =	sor.u32 s1, s14;
	[dreg:$0xd] =	wrdreg s16  }
0x9: {  	[dreg:$0xe] =	wrdreg s18;
	s16 =	simm.s32 $0xEA80;
	s18 =	simm.s32 $0xF280  }
0xa: {  	s13 =	sshrl.u32 s19, $0x1;
	s14 =	smul.u32 $0xC80, s23;
	[dreg:$0x1b] =	wrdreg s16  }
0xb: {  	s23 =	simm.s32 $0x100;
	[dreg:$0x1d] =	wrdreg s18;
	s4 =	sadd.s32 s5, s4  }
0xc: {  	[dreg:$0x12] =	wrdreg s23;
	s23 =	simm.s32 $0x1A400;
	s5 =	sshll.u32 s4, $0x4  }
0xd: {  	s4 =	sadd.s32 $0x1200, s0;
	s31 =	sadd.s32 s6, s14;
	[smem:$0x7F9] =	sst s23  }
0xe: {  	s0 =	ssub.s32 s19, s13;
	s13 =	simm.s32 $0xEE00;
	[smem:$0x7F6] =	sst s31  }
0xf: {  	[dreg:$0xc] =	wrdreg s13;
	s31 =	simm.s32 $0xBA00  }
0x10: {  	s10 =	sadd.s32 $0x80, s5;
	s13 =	simm.s32 $0x980;
	[dreg:$0x15] =	wrdreg s31  }
0x11: {  	s12 =	sadd.s32 s10, s6;
	[dreg:$0x18] =	wrdreg s13  }
0x12: {  	s28 =	simm.s32 $0x5;
	s20 =	sadd.s32 s10, s7;
	[dreg:$0x3] =	wrdreg s12  }
0x13: {  	s29 =	simm.s32 $0x6;
	s21 =	sadd.s32 s10, s8;
	[dreg:$0x4] =	wrdreg s20  }
0x14: {  	s22 =	sor.u32 $0x40, s5;
	s10 =	sadd.s32 s10, s9;
	[dreg:$0x5] =	wrdreg s21  }
0x15: {  	s30 =	simm.s32 $0x0;
	s24 =	sadd.s32 s22, s6;
	[dreg:$0x6] =	wrdreg s10  }
0x16: {  	s17 =	smul.u32 $0x640000, s15;
	s25 =	sadd.s32 s22, s7;
	[dreg:$0x7] =	wrdreg s24  }
0x17: {  	s16 =	simm.s32 $0xEA00;
	s26 =	sadd.s32 s22, s8;
	[dreg:$0x8] =	wrdreg s25  }
0x18: {  	s5 =	sadd.s32 s22, s9;
	s6 =	sadd.s32 s7, s14;
	[dreg:$0x9] =	wrdreg s26  }
0x19: {  	s7 =	sadd.s32 s8, s14;
	s22 =	simm.s32 $0xA200;
	[dreg:$0xa] =	wrdreg s5  }
0x1a: {  	s8 =	sadd.s32 s9, s14;
	s14 =	simm.s32 $0xD200;
	[dreg:$0x11] =	wrdreg s22  }
0x1b: {  	s18 =	simm.s32 $0xA00;
	s31 =	simm.s32 $0x1BC00;
	[dreg:$0x19] =	wrdreg s14  }
0x1c: {  	s19 =	smul.u32 $0x320000, s1;
	s12 =	simm.s32 $0xEC00;
	[smem:$0x7FD] =	sst s31  }
0x1d: {  	s1 =	smul.u32 $0x64000, s1;
	s20 =	simm.s32 $0x2A00;
	[dreg:$0xb] =	wrdreg s12  }
0x1e: {  	s23 =	simm.s32 $0x2;
	s21 =	simm.s32 $0x880;
	[dreg:$0xf] =	wrdreg s20  }
0x1f: {  	s9 =	smax.u32 s0, $0x1;
	s24 =	simm.s32 $0x4A00;
	[dreg:$0x10] =	wrdreg s21  }
0x20: {  	s10 =	sadd.s32 s19, s17;
	s25 =	simm.s32 $0x900;
	[dreg:$0x13] =	wrdreg s24  }
0x21: {  	s26 =	smul.u32 $0xC8000, s15;
	s5 =	simm.s32 $0x180;
	[dreg:$0x14] =	wrdreg s25  }
0x22: {  	s15 =	simm.s32 $0xF200;
	s17 =	simm.s32 $0x11400;
	[dreg:$0x16] =	wrdreg s5  }
0x23: {  	s19 =	simm.s32 $0x18C00;
	s22 =	simm.s32 $0xF300;
	[dreg:$0x1a] =	wrdreg s15  }
0x24: {  	s10 =	sshrl.u32 s10, $0x3;
	s12 =	simm.s32 $0x6A00;
	[dreg:$0x1c] =	wrdreg s17  }
0x25: {  	s15 =	simm.s32 $0x1;
	s17 =	simm.s32 $0x80;
	[dreg:$0x1e] =	wrdreg s19  }
0x26: {  	s20 =	simm.s32 $0xEB00;
	s21 =	simm.s32 $0x13400;
	[smem:$0x7F8] =	sst s22  }
0x27: {  	s19 =	simm.s32 $0x8A00;
	s24 =	simm.s32 $0xEB80;
	[dreg:$0x17] =	wrdreg s12  }
0x28: {  	s22 =	simm.s32 $0x30;
	s25 =	simm.s32 $0x15400;
	[dreg:$0x1f] =	wrdreg s20  }
0x29: {  	s10 =	sadd.s32 s10, s11;
	s11 =	sadd.s32 s26, s11;
	[smem:$0x7F7] =	sst s21  }
0x2a: {  	s20 =	simm.s32 $0x3;
	s21 =	simm.s32 $0x40;
	[smem:$0x7FA] =	sst s24  }
0x2b: {  	[smem:$0x7FB] =	sst s25;
	s26 =	simm.s32 $0xF380;
	s24 =	simm.s32 $0xF400  }
0x2c: {  	s25 =	simm.s32 $0x17400;
	s0 =	sadd.s32 $0x8, s10;
	s1 =	sadd.s32 s1, s11  }
0x2d: {  	[smem:$0x7FC] =	sst s26;
	s26 =	simm.s32 $0x4;
	s11 =	sadd.s32 $0x2008, s1  }
.LBB2_1:
0x2e: {  	s1 =	sld [smem:$0x7F6];
	_ =	sdelay $0x2  }
0x2f: {  	[tilespmem:s3], [sflag:$0x1] =	stream.linear.gather [hbm4b:s1+s3], $0x200, $0x38;
	[tilespmem:$0x1D400] =	vst v63  }
0x30: {  	s12 =	simm.s32 $0x200  }
0x31: {  	[tilespmem:s12], [sflag:$0x1] =	stream.linear.gather [hbm4b:s6+s3], $0x200, $0x38;
	[tilespmem:$0x1D400] =	vst v63  }
0x32: {  	s13 =	simm.s32 $0x400;
	s14 =	simm.s32 $0x600  }
0x33: {  	[tilespmem:s13], [sflag:$0x1] =	stream.linear.gather [hbm4b:s7+s3], $0x200, $0x38;
	[tilespmem:$0x1D400] =	vst v63  }
0x34: {  	s31 =	smov.u32 s11;
	s10 =	smov.u32 s0;
	s1 =	simm.s32 $0x0  }
0x35: {  	[tilespmem:s14], [sflag:$0x1] =	stream.linear.gather [hbm4b:s8+s3], $0x200, $0x38;
	[tilespmem:$0x1D400] =	vst v63  }
.LBB2_2:
0x36: {  	p0 =	seq.s32 s1, $0x0  }
0x37: {  	s12 =	simm.s32 @!p0 $0x5  }
0x38: {  	_ =	swait.ge @!p0 [sflag:s12], $0x8000  }
0x39: {  	[sflag:s12] =	ssyncset.done @!p0 $0x0  }
0x3a: {  	[sflag:s12] =	ssyncadd.s32 @!p0 $0xFFFF8000  }
0x3b: {  	_ =	swait.ge @!p0 [sflag:s12], $0x6000  }
0x3c: {  	[sflag:s12] =	ssyncset.done @!p0 $0x0  }
0x3d: {  	[sflag:s12] =	ssyncadd.s32 @!p0 $0xFFFFA000  }
0x3e: {  	_ =	swait.ge [sflag:s15], $0x200  }
0x3f: {  	[sflag:s15] =	ssyncset.done $0x0  }
0x40: {  	[sflag:s15] =	ssyncadd.s32 $0xFFFFFE00  }
0x41: {  	_ =	swait.ge [sflag:s15], $0x200  }
0x42: {  	[sflag:s15] =	ssyncset.done $0x0  }
0x43: {  	[sflag:s15] =	ssyncadd.s32 $0xFFFFFE00  }
0x44: {  	_ =	swait.ge [sflag:s15], $0x200  }
0x45: {  	[sflag:s15] =	ssyncset.done $0x0  }
0x46: {  	[sflag:s15] =	ssyncadd.s32 $0xFFFFFE00  }
0x47: {  	_ =	swait.ge [sflag:s15], $0x200  }
0x48: {  	s5 =	rddreg [dreg:$0x7]  }
0x49: {  	[sflag:s15] =	ssyncset.done $0x0;
	s13 =	rddreg [dreg:$0x8]  }
0x4a: {  	s14 =	rddreg [dreg:$0xb];
	[sflag:s15] =	ssyncadd.s32 $0xFFFFFE00;
	s12 =	sadd.s32 s1, s5  }
0x4b: {  	[tilespmem:s16], [sflag:$0x2] =	stream.linear.gather [hbm4b:s12+s3], $0x200, $0x38;
	[tilespmem:$0x1D400] =	vst v63  }
0x4c: {  	s13 =	sadd.s32 s1, s13;
	s5 =	rddreg [dreg:$0x9]  }
0x4d: {  	[tilespmem:s14], [sflag:$0x2] =	stream.linear.gather [hbm4b:s13+s3], $0x200, $0x38;
	[tilespmem:$0x1D400] =	vst v63  }
0x4e: {  	s13 =	rddreg [dreg:$0xc]  }
0x4f: {  	s12 =	sadd.s32 s1, s5;
	s14 =	rddreg [dreg:$0xa]  }
0x50: {  	[tilespmem:s13], [sflag:$0x2] =	stream.linear.gather [hbm4b:s12+s3], $0x200, $0x38;
	[tilespmem:$0x1D400] =	vst v63  }
0x51: {  	s5 =	rddreg [dreg:$0xd];
	s13 =	sadd.s32 s1, s14  }
0x52: {  	[tilespmem:s5], [sflag:$0x2] =	stream.linear.gather [hbm4b:s13+s3], $0x200, $0x38;
	[tilespmem:$0x1D400] =	vst v63  }
0x53: {  	v0 =	vld [tilespmem:$0x200]  }
0x54: {  	v1 =	vld [tilespmem:$0x400]  }
0x55: {  	v2 =	vld [tilespmem:$0x600]  }
0x56: {  	v3 =	vld [tilespmem:$0x210]  }
0x57: {  	v4 =	vld [tilespmem:$0x410]  }
0x58: {  	v5 =	vld [tilespmem:$0x610]  }
0x59: {  	v6 =	vld [tilespmem:$0x220]  }
0x5a: {  	v7 =	vld [tilespmem:$0x420]  }
0x5b: {  	v8 =	vld [tilespmem:$0x620]  }
0x5c: {  	v9 =	vld [tilespmem:$0x230]  }
0x5d: {  	v10 =	vld [tilespmem:$0x430]  }
0x5e: {  	v11 =	vld [tilespmem:$0x630]  }
0x5f: {  	v12 =	vld [tilespmem:$0x240]  }
0x60: {  	v13 =	vld [tilespmem:$0x440]  }
0x61: {  	v14 =	vld [tilespmem:$0x640]  }
0x62: {  	v15 =	vld [tilespmem:$0x250]  }
0x63: {  	v16 =	vld [tilespmem:$0x450]  }
0x64: {  	v17 =	vld [tilespmem:$0x650]  }
0x65: {  	v18 =	vld [tilespmem:$0x260]  }
0x66: {  	v19 =	vld [tilespmem:$0x460]  }
0x67: {  	v20 =	vld [tilespmem:$0x660]  }
0x68: {  	v21 =	vld [tilespmem:$0x270]  }
0x69: {  	v22 =	vld [tilespmem:$0x470]  }
0x6a: {  	v23 =	vld [tilespmem:$0x670]  }
0x6b: {  	v24 =	vld [tilespmem:$0x280]  }
0x6c: {  	v25 =	vld [tilespmem:$0x480]  }
0x6d: {  	v26 =	vld [tilespmem:$0x680]  }
0x6e: {  	v27 =	vld [tilespmem:$0x290]  }
0x6f: {  	v28 =	vld [tilespmem:$0x490]  }
0x70: {  	v29 =	vld [tilespmem:$0x690]  }
0x71: {  	v30 =	vld [tilespmem:$0x2A0]  }
0x72: {  	v31 =	vld [tilespmem:$0x4A0]  }
0x73: {  	v32 =	vld [tilespmem:$0x6A0]  }
0x74: {  	v33 =	vld [tilespmem:$0x2B0]  }
0x75: {  	v34 =	vld [tilespmem:$0x4B0]  }
0x76: {  	v35 =	vld [tilespmem:$0x6B0]  }
0x77: {  	v36 =	vld [tilespmem:$0x2C0]  }
0x78: {  	v37 =	vld [tilespmem:$0x4C0]  }
0x79: {  	v38 =	vld [tilespmem:$0x6C0]  }
0x7a: {  	v39 =	vld [tilespmem:$0x2D0]  }
0x7b: {  	v40 =	vld [tilespmem:$0x4D0]  }
0x7c: {  	v41 =	vld [tilespmem:$0x6D0]  }
0x7d: {  	v42 =	vld [tilespmem:$0x2E0]  }
0x7e: {  	v43 =	vld [tilespmem:$0x4E0]  }
0x7f: {  	v44 =	vld [tilespmem:$0x6E0]  }
0x80: {  	v45 =	vld [tilespmem:$0x2F0]  }
0x81: {  	v46 =	vld [tilespmem:$0x4F0]  }
0x82: {  	v47 =	vld [tilespmem:$0x6F0]  }
0x83: {  	v48 =	vld [tilespmem:$0x300]  }
0x84: {  	v49 =	vld [tilespmem:$0x500]  }
0x85: {  	v50 =	vld [tilespmem:$0x700]  }
0x86: {  	v51 =	vld [tilespmem:$0x310]  }
0x87: {  	v52 =	vld [tilespmem:$0x510]  }
0x88: {  	v53 =	vld [tilespmem:$0x710]  }
0x89: {  	v54 =	vld [tilespmem:$0x320]  }
0x8a: {  	v55 =	vld [tilespmem:$0x520]  }
0x8b: {  	v57 =	vld [tilespmem:$0x330]  }
0x8c: {  	v58 =	vld [tilespmem:$0x530];
	v56 =	vmul.u32 $0x240, v0;
	v1 =	vmul.u32 $0x18, v1;
	v3 =	vmul.u32 $0x240, v3  }
0x8d: {  	v0 =	vld [tilespmem:$0x720];
	v4 =	vmul.u32 $0x18, v4;
	v6 =	vmul.u32 $0x240, v6;
	v7 =	vmul.u32 $0x18, v7  }
0x8e: {  	v61 =	vmul.u32 $0x240, v9;
	v62 =	vmul.u32 $0x18, v10;
	v63 =	vmul.u32 $0x240, v12;
	v12 =	vld [tilespmem:$0x340]  }
0x8f: {  	v13 =	vmul.u32 $0x18, v13;
	v15 =	vmul.u32 $0x240, v15;
	v16 =	vmul.u32 $0x18, v16;
	v9 =	vld [tilespmem:$0x350]  }
0x90: {  	v24 =	vmul.u32 $0x240, v24;
	v25 =	vmul.u32 $0x18, v25;
	v60 =	vadd.s32 v6, v7;
	v6 =	vld [tilespmem:$0x730]  }
0x91: {  	v1 =	vadd.s32 v56, v1;
	v3 =	vadd.s32 v3, v4;
	v56 =	vld [tilespmem:$0x540];
	v7 =	vadd.s32 v63, v13  }
0x92: {  	v4 =	vld [tilespmem:$0x740];
	v59 =	vadd.s32 v15, v16;
	v63 =	vmul.u32 $0x18, v22;
	v1 =	vadd.s32 v2, v1  }
0x93: {  	v16 =	vld [tilespmem:$0x550];
	v2 =	vadd.s32 v5, v3;
	v3 =	vadd.s32 v8, v60;
	v5 =	vadd.s32 v61, v62  }
0x94: {  	v22 =	vld [tilespmem:$0x750];
	v60 =	vmul.u32 $0x240, v18;
	v61 =	vmul.u32 $0x18, v19;
	v62 =	vmul.u32 $0x240, v21  }
0x95: {  	v15 =	vld [tilespmem:$0x560];
	v7 =	vadd.s32 v14, v7;
	v8 =	vadd.s32 v17, v59;
	v14 =	vadd.s32 v24, v25  }
0x96: {  	v17 =	vmul.u32 $0x240, v27;
	v18 =	vmul.u32 $0x18, v28;
	v59 =	vmul.u32 $0x240, v30;
	v21 =	vld [tilespmem:$0x760]  }
0x97: {  	v28 =	vld [tilespmem:$0x370];
	v5 =	vadd.s32 v11, v5;
	v10 =	vadd.s32 v60, v61;
	v13 =	vadd.s32 v62, v63  }
0x98: {  	v19 =	vld [tilespmem:$0x770];
	v60 =	vmul.u32 $0x18, v31;
	v61 =	vmul.u32 $0x240, v33;
	v62 =	vmul.u32 $0x18, v34  }
0x99: {  	v24 =	vld [tilespmem:$0x380];
	[tilespmem:$0x800] =	vst v1;
	v30 =	vadd.s32 v17, v18;
	v34 =	vmul.u32 $0x240, v36;
	v36 =	vmul.u32 $0x18, v37  }
0x9a: {  	v27 =	vld [tilespmem:$0x580];
	[tilespmem:$0x810] =	vst v2;
	v37 =	vmul.u32 $0x240, v39;
	v39 =	vmul.u32 $0x18, v40;
	v40 =	vmul.u32 $0x240, v42  }
0x9b: {  	v11 =	vld [tilespmem:$0x360];
	[tilespmem:$0x820] =	vst v3;
	v42 =	vmul.u32 $0x18, v43;
	v12 =	vmul.u32 $0x240, v12;
	v63 =	vadd.s32 v20, v10  }
0x9c: {  	[tilespmem:$0x840] =	vst v7;
	v18 =	vld [tilespmem:$0x780];
	v10 =	vadd.s32 v23, v13;
	v13 =	vadd.s32 v26, v14;
	v2 =	vadd.s32 v29, v30  }
0x9d: {  	[tilespmem:$0x850] =	vst v8;
	v14 =	vld [tilespmem:$0x570];
	v31 =	vadd.s32 v59, v60;
	v33 =	vadd.s32 v61, v62;
	v3 =	vadd.s32 v34, v36  }
0x9e: {  	[tilespmem:$0x830] =	vst v5;
	v20 =	vld [tilespmem:$0x390];
	v5 =	vadd.s32 v37, v39;
	v60 =	vadd.s32 v40, v42;
	v61 =	vmul.u32 $0x240, v45  }
0x9f: {  	v26 =	vld [tilespmem:$0x590];
	[tilespmem:$0x860] =	vst v63;
	v62 =	vmul.u32 $0x18, v46;
	v63 =	vmul.u32 $0x240, v48;
	v34 =	vmul.u32 $0x240, v51  }
0xa0: {  	v30 =	vld [tilespmem:$0x7A0];
	[tilespmem:$0x870] =	vst v10;
	v39 =	vmul.u32 $0x240, v54;
	v40 =	vmul.u32 $0x18, v55;
	v42 =	vmul.u32 $0x18, v58  }
0xa1: {  	[tilespmem:$0x880] =	vst v13;
	v13 =	vld [tilespmem:$0x3A0];
	v51 =	vmul.u32 $0x18, v16;
	v43 =	vadd.s32 v32, v31;
	v59 =	vadd.s32 v35, v33  }
0xa2: {  	[tilespmem:$0x890] =	vst v2;
	v46 =	vld [tilespmem:$0x5B0];
	v33 =	vmul.u32 $0x18, v49;
	v35 =	vmul.u32 $0x18, v52;
	v3 =	vadd.s32 v38, v3  }
0xa3: {  	v55 =	vld [tilespmem:$0x5C0];
	v5 =	vadd.s32 v41, v5;
	v8 =	vadd.s32 v44, v60;
	v41 =	vmul.u32 $0x240, v57;
	[tilespmem:$0x8A0] =	vst v43  }
0xa4: {  	v38 =	vld [tilespmem:$0x5A0];
	v54 =	vmul.u32 $0x240, v28;
	v1 =	vadd.s32 v61, v62;
	[tilespmem:$0x8B0] =	vst v59;
	v43 =	vmul.u32 $0x18, v56  }
0xa5: {  	v44 =	vld [tilespmem:$0x3B0];
	[tilespmem:$0x8C0] =	vst v3;
	v11 =	vmul.u32 $0x240, v11;
	v36 =	vadd.s32 v63, v33;
	v37 =	vadd.s32 v34, v35  }
0xa6: {  	v52 =	vld [tilespmem:$0x3C0];
	[tilespmem:$0x8D0] =	vst v5;
	v1 =	vadd.s32 v47, v1;
	v47 =	vadd.s32 v39, v40;
	v48 =	vadd.s32 v41, v42  }
0xa7: {  	v60 =	vld [tilespmem:$0x3D0];
	[tilespmem:$0x8E0] =	vst v8;
	v2 =	vadd.s32 v50, v36;
	v45 =	vadd.s32 v53, v37;
	v12 =	vadd.s32 v12, v43  }
0xa8: {  	v32 =	vld [tilespmem:$0x5E0];
	v50 =	vmul.u32 $0x240, v9;
	[tilespmem:$0x8F0] =	vst v1;
	v53 =	vmul.u32 $0x18, v15;
	v14 =	vmul.u32 $0x18, v14  }
0xa9: {  	v31 =	vld [tilespmem:$0x790];
	v0 =	vadd.s32 v0, v47;
	v56 =	vadd.s32 v6, v48;
	[tilespmem:$0x900] =	vst v2;
	v4 =	vadd.s32 v4, v12  }
0xaa: {  	v49 =	vld [tilespmem:$0x7B0];
	[tilespmem:$0x910] =	vst v45;
	v28 =	vmul.u32 $0x240, v13;
	v36 =	vmul.u32 $0x18, v46;
	v42 =	vmul.u32 $0x18, v55  }
0xab: {  	v57 =	vld [tilespmem:$0x7C0];
	[tilespmem:$0x920] =	vst v0;
	v58 =	vadd.s32 v50, v51;
	v1 =	vadd.s32 v11, v53;
	v59 =	vadd.s32 v54, v14  }
0xac: {  	v63 =	vld [tilespmem:$0x5D0];
	[tilespmem:$0x930] =	vst v56;
	v29 =	vmul.u32 $0x18, v38;
	v35 =	vmul.u32 $0x240, v44;
	v41 =	vmul.u32 $0x240, v52  }
0xad: {  	v40 =	vld [tilespmem:$0x5F0];
	[tilespmem:$0x940] =	vst v4;
	v48 =	vmul.u32 $0x240, v60;
	v51 =	vmul.u32 $0x18, v32;
	v61 =	vadd.s32 v22, v58  }
0xae: {  	v37 =	vld [tilespmem:$0x3F0];
	v1 =	vadd.s32 v21, v1;
	v62 =	vadd.s32 v19, v59;
	v19 =	vmul.u32 $0x240, v24;
	[tilespmem:$0x950] =	vst v61  }
0xaf: {  	v21 =	vmul.u32 $0x18, v27;
	v22 =	vmul.u32 $0x240, v20;
	v24 =	vld [tilespmem:$0x3E0];
	[tilespmem:$0x960] =	vst v1;
	v39 =	vadd.s32 v28, v29  }
0xb0: {  	v43 =	vld [tilespmem:$0x7D0];
	v27 =	vmul.u32 $0x18, v26;
	[tilespmem:$0x970] =	vst v62;
	v2 =	vadd.s32 v35, v36;
	v45 =	vadd.s32 v30, v39  }
0xb1: {  	v47 =	vadd.s32 v41, v42;
	v34 =	vadd.s32 v19, v21;
	v2 =	vadd.s32 v49, v2;
	v49 =	vld [tilespmem:$0x7F0];
	[tilespmem:$0x9A0] =	vst v45  }
0xb2: {  	v46 =	vld [tilespmem:$0x7E0];
	v6 =	vmul.u32 $0x18, v63;
	v38 =	vadd.s32 v22, v27;
	v0 =	vadd.s32 v18, v34;
	[tilespmem:$0x9B0] =	vst v2  }
0xb3: {  	v54 =	vmul.u32 $0x18, v40;
	v53 =	vmul.u32 $0x240, v37;
	v44 =	vadd.s32 v31, v38;
	[tilespmem:$0x980] =	vst v0  }
0xb4: {  	v52 =	vadd.s32 v48, v6;
	[tilespmem:$0x990] =	vst v44;
	v0 =	vadd.s32 v57, v47;
	v50 =	vmul.u32 $0x240, v24  }
0xb5: {  	v55 =	vadd.s32 v43, v52;
	v57 =	vadd.s32 v53, v54;
	[tilespmem:$0x9C0] =	vst v0  }
0xb6: {  	s14 =	rddreg [dreg:$0xe];
	[tilespmem:$0x9D0] =	vst v55;
	v1 =	vadd.s32 v50, v51;
	v58 =	vadd.s32 v49, v57  }
0xb7: {  	s12 =	rddreg [dreg:$0xf];
	v56 =	vadd.s32 v46, v1;
	[tilespmem:$0x9F0] =	vst v58  }
0xb8: {  	s13 =	rddreg [dreg:$0x10];
	[tilespmem:$0x9E0] =	vst v56  }
0xb9: {  	[tilespmem:s18], [sflag:$0x3] =	stream.indirect.gather [hbm4b:s2+s17], $0x40, s3, s17, $0xb8;
	[tilespmem:$0x1D400] =	vst v63  }
0xba: {  	s5 =	rddreg [dreg:$0x12]  }
0xbb: {  	[tilespmem:s19], [sflag:$0x3] =	stream.indirect.gather [hbm4b:s4+s17], $0x30, s14, s17, $0xb8;
	[tilespmem:$0x1D400] =	vst v63  }
0xbc: {  	s14 =	rddreg [dreg:$0x11]  }
0xbd: {  	[tilespmem:s12], [sflag:$0x3] =	stream.indirect.gather [hbm4b:s2+s17], $0x40, s17, s17, $0xb8;
	[tilespmem:$0x1D400] =	vst v63  }
0xbe: {  	s12 =	rddreg [dreg:$0x13]  }
0xbf: {  	[tilespmem:s14], [sflag:$0x3] =	stream.indirect.gather [hbm4b:s4+s17], $0x30, s13, s17, $0xb8;
	[tilespmem:$0x1D400] =	vst v63  }
0xc0: {  	s13 =	rddreg [dreg:$0x14]  }
0xc1: {  	s14 =	rddreg [dreg:$0x15]  }
0xc2: {  	[tilespmem:s12], [sflag:$0x3] =	stream.indirect.gather [hbm4b:s2+s17], $0x40, s5, s17, $0xb8;
	[tilespmem:$0x1D400] =	vst v63  }
0xc3: {  	s5 =	rddreg [dreg:$0x16]  }
0xc4: {  	s12 =	rddreg [dreg:$0x17]  }
0xc5: {  	[tilespmem:s14], [sflag:$0x3] =	stream.indirect.gather [hbm4b:s4+s17], $0x30, s13, s17, $0xb8;
	[tilespmem:$0x1D400] =	vst v63  }
0xc6: {  	s13 =	rddreg [dreg:$0x18]  }
0xc7: {  	[tilespmem:s12], [sflag:$0x3] =	stream.indirect.gather [hbm4b:s2+s17], $0x40, s5, s17, $0xb8;
	[tilespmem:$0x1D400] =	vst v63  }
0xc8: {  	s14 =	rddreg [dreg:$0x19]  }
0xc9: {  	[tilespmem:s14], [sflag:$0x3] =	stream.indirect.gather [hbm4b:s4+s17], $0x30, s13, s17, $0xb8;
	[tilespmem:$0x1D400] =	vst v63  }
0xca: {  	_ =	swait.ge [sflag:s20], $0x2000  }
0xcb: {  	[sflag:s20] =	ssyncset.done $0x0  }
0xcc: {  	[sflag:s20] =	ssyncadd.s32 $0xFFFFE000  }
0xcd: {  	_ =	swait.ge [sflag:s20], $0x1800  }
0xce: {  	[sflag:s20] =	ssyncset.done $0x0  }
0xcf: {  	[sflag:s20] =	ssyncadd.s32 $0xFFFFE800  }
0xd0: {  	_ =	swait.ge [sflag:s20], $0x2000  }
0xd1: {  	[sflag:s20] =	ssyncset.done $0x0  }
0xd2: {  	[sflag:s20] =	ssyncadd.s32 $0xFFFFE000  }
0xd3: {  	_ =	swait.ge [sflag:s20], $0x1800  }
0xd4: {  	[sflag:s20] =	ssyncset.done $0x0  }
0xd5: {  	[sflag:s20] =	ssyncadd.s32 $0xFFFFE800  }
0xd6: {  	_ =	swait.ge [sflag:s20], $0x2000  }
0xd7: {  	[sflag:s20] =	ssyncset.done $0x0  }
0xd8: {  	[sflag:s20] =	ssyncadd.s32 $0xFFFFE000  }
0xd9: {  	_ =	swait.ge [sflag:s20], $0x1800  }
0xda: {  	[sflag:s20] =	ssyncset.done $0x0  }
0xdb: {  	[sflag:s20] =	ssyncadd.s32 $0xFFFFE800  }
0xdc: {  	_ =	swait.ge [sflag:s20], $0x2000  }
0xdd: {  	[sflag:s20] =	ssyncset.done $0x0  }
0xde: {  	[sflag:s20] =	ssyncadd.s32 $0xFFFFE000  }
0xdf: {  	_ =	swait.ge [sflag:s20], $0x1800  }
0xe0: {  	[sflag:s20] =	ssyncset.done $0x0  }
0xe1: {  	s12 =	sadd.s32 $0xFFFFFFF8, s10;
	[sflag:s20] =	ssyncadd.s32 $0xFFFFE800  }
0xe2: {  	[hbm4b:s12+s21] =	stream.strided.scatter [tilespmem:s18], [sflag:$0x5], $0x8000, s17, s21, $0x38;
	[tilespmem:$0x1D400] =	vst v63  }
0xe3: {  	s5 =	simm.s32 @!p0 $0x6  }
0xe4: {  	[hbm4b:s10+s22] =	stream.strided.scatter [tilespmem:s19], [sflag:$0x5], $0x6000, s17, s22, $0x38;
	[tilespmem:$0x1D400] =	vst v63  }
0xe5: {  	_ =	swait.ge @!p0 [sflag:s5], $0x8000  }
0xe6: {  	[sflag:s5] =	ssyncset.done @!p0 $0x0  }
0xe7: {  	[sflag:s5] =	ssyncadd.s32 @!p0 $0xFFFF8000  }
0xe8: {  	_ =	swait.ge @!p0 [sflag:s5], $0x6000  }
0xe9: {  	[sflag:s5] =	ssyncset.done @!p0 $0x0  }
0xea: {  	[sflag:s5] =	ssyncadd.s32 @!p0 $0xFFFFA000  }
0xeb: {  	_ =	swait.ge [sflag:s23], $0x200  }
0xec: {  	[sflag:s23] =	ssyncset.done $0x0  }
0xed: {  	[sflag:s23] =	ssyncadd.s32 $0xFFFFFE00  }
0xee: {  	_ =	swait.ge [sflag:s23], $0x200  }
0xef: {  	[sflag:s23] =	ssyncset.done $0x0  }
0xf0: {  	[sflag:s23] =	ssyncadd.s32 $0xFFFFFE00  }
0xf1: {  	_ =	swait.ge [sflag:s23], $0x200  }
0xf2: {  	[sflag:s23] =	ssyncset.done $0x0  }
0xf3: {  	[sflag:s23] =	ssyncadd.s32 $0xFFFFFE00  }
0xf4: {  	p0 =	seq.s32 s1, $0xC00;
	_ =	swait.ge [sflag:s23], $0x200  }
0xf5: {  	s13 =	simm.s32 @!p0 $0x0;
	s5 =	rddreg [dreg:$0x3];
	[sflag:s23] =	ssyncset.done $0x0  }
0xf6: {  	s12 =	rddreg [dreg:$0x4];
	[sflag:s23] =	ssyncadd.s32 $0xFFFFFE00;
	s5 =	sadd.s32 @!p0 s1, s5  }
0xf7: {  	[tilespmem:s13], [sflag:$0x1] =	stream.linear.gather @!p0 [hbm4b:s5+s13], $0x200, $0x38;
	[tilespmem:$0x1D400] =	vst v63  }
0xf8: {  	s14 =	rddreg [dreg:$0x5];
	s5 =	sadd.s32 @!p0 s1, s12;
	s12 =	simm.s32 @!p0 $0x200  }
0xf9: {  	[tilespmem:s12], [sflag:$0x1] =	stream.linear.gather @!p0 [hbm4b:s5+s13], $0x200, $0x38;
	[tilespmem:$0x1D400] =	vst v63  }
0xfa: {  	s5 =	rddreg [dreg:$0x6];
	s12 =	sadd.s32 @!p0 s1, s14;
	s14 =	simm.s32 @!p0 $0x400  }
0xfb: {  	[tilespmem:s14], [sflag:$0x1] =	stream.linear.gather @!p0 [hbm4b:s12+s13], $0x200, $0x38;
	[tilespmem:$0x1D400] =	vst v63  }
0xfc: {  	s5 =	sadd.s32 @!p0 s1, s5;
	s12 =	simm.s32 @!p0 $0x600  }
0xfd: {  	[tilespmem:s12], [sflag:$0x1] =	stream.linear.gather @!p0 [hbm4b:s5+s13], $0x200, $0x38;
	[tilespmem:$0x1D400] =	vst v63  }
0xfe: {  	v59 =	vld [tilespmem:$0xEC00]  }
0xff: {  	v1 =	vld [tilespmem:$0xEE00]  }
0x100: {  	v2 =	vld [tilespmem:$0xF000]  }
0x101: {  	v3 =	vld [tilespmem:$0xEC10]  }
0x102: {  	v4 =	vld [tilespmem:$0xEE10]  }
0x103: {  	v5 =	vld [tilespmem:$0xF010]  }
0x104: {  	v6 =	vld [tilespmem:$0xEC20]  }
0x105: {  	v60 =	vld [tilespmem:$0xEE20]  }
0x106: {  	v8 =	vld [tilespmem:$0xF020]  }
0x107: {  	v61 =	vld [tilespmem:$0xEC30]  }
0x108: {  	v62 =	vld [tilespmem:$0xEE30]  }
0x109: {  	v11 =	vld [tilespmem:$0xF030]  }
0x10a: {  	v12 =	vld [tilespmem:$0xEC40]  }
0x10b: {  	v13 =	vld [tilespmem:$0xEE40]  }
0x10c: {  	v14 =	vld [tilespmem:$0xF040]  }
0x10d: {  	v15 =	vld [tilespmem:$0xEC50]  }
0x10e: {  	v16 =	vld [tilespmem:$0xEE50]  }
0x10f: {  	v17 =	vld [tilespmem:$0xF050]  }
0x110: {  	v18 =	vld [tilespmem:$0xEC60]  }
0x111: {  	v19 =	vld [tilespmem:$0xEE60]  }
0x112: {  	v20 =	vld [tilespmem:$0xF060]  }
0x113: {  	v21 =	vld [tilespmem:$0xEC70]  }
0x114: {  	v22 =	vld [tilespmem:$0xEE70]  }
0x115: {  	v23 =	vld [tilespmem:$0xF070]  }
0x116: {  	v24 =	vld [tilespmem:$0xEC80]  }
0x117: {  	v25 =	vld [tilespmem:$0xEE80]  }
0x118: {  	v26 =	vld [tilespmem:$0xF080]  }
0x119: {  	v27 =	vld [tilespmem:$0xEC90]  }
0x11a: {  	v28 =	vld [tilespmem:$0xEE90]  }
0x11b: {  	v29 =	vld [tilespmem:$0xF090]  }
0x11c: {  	v30 =	vld [tilespmem:$0xECA0]  }
0x11d: {  	v31 =	vld [tilespmem:$0xEEA0]  }
0x11e: {  	v32 =	vld [tilespmem:$0xF0A0]  }
0x11f: {  	v33 =	vld [tilespmem:$0xECB0]  }
0x120: {  	v34 =	vld [tilespmem:$0xEEB0]  }
0x121: {  	v35 =	vld [tilespmem:$0xF0B0]  }
0x122: {  	v36 =	vld [tilespmem:$0xECC0]  }
0x123: {  	v37 =	vld [tilespmem:$0xEEC0]  }
0x124: {  	v38 =	vld [tilespmem:$0xF0C0]  }
0x125: {  	v39 =	vld [tilespmem:$0xECD0]  }
0x126: {  	v40 =	vld [tilespmem:$0xEED0]  }
0x127: {  	v41 =	vld [tilespmem:$0xF0D0]  }
0x128: {  	v42 =	vld [tilespmem:$0xECE0]  }
0x129: {  	v43 =	vld [tilespmem:$0xEEE0]  }
0x12a: {  	v44 =	vld [tilespmem:$0xF0E0]  }
0x12b: {  	v45 =	vld [tilespmem:$0xECF0]  }
0x12c: {  	v46 =	vld [tilespmem:$0xEEF0]  }
0x12d: {  	v47 =	vld [tilespmem:$0xF0F0]  }
0x12e: {  	v48 =	vld [tilespmem:$0xED00]  }
0x12f: {  	v49 =	vld [tilespmem:$0xEF00]  }
0x130: {  	v50 =	vld [tilespmem:$0xF100]  }
0x131: {  	v51 =	vld [tilespmem:$0xED10]  }
0x132: {  	v52 =	vld [tilespmem:$0xEF10]  }
0x133: {  	v53 =	vld [tilespmem:$0xF110]  }
0x134: {  	v54 =	vld [tilespmem:$0xED20]  }
0x135: {  	v55 =	vld [tilespmem:$0xEF20]  }
0x136: {  	v0 =	vld [tilespmem:$0xF120];
	v63 =	vmul.u32 $0x240, v59  }
0x137: {  	v57 =	vld [tilespmem:$0xED30];
	v1 =	vmul.u32 $0x18, v1;
	v3 =	vmul.u32 $0x240, v3;
	v4 =	vmul.u32 $0x18, v4  }
0x138: {  	v58 =	vld [tilespmem:$0xEF30];
	v6 =	vmul.u32 $0x240, v6;
	v7 =	vmul.u32 $0x18, v60;
	v61 =	vmul.u32 $0x240, v61  }
0x139: {  	v56 =	vld [tilespmem:$0xEF40];
	v62 =	vmul.u32 $0x18, v62;
	v13 =	vmul.u32 $0x18, v13;
	v15 =	vmul.u32 $0x240, v15  }
0x13a: {  	v9 =	vld [tilespmem:$0xED50];
	v16 =	vmul.u32 $0x18, v16;
	v24 =	vmul.u32 $0x240, v24;
	v25 =	vmul.u32 $0x18, v25  }
0x13b: {  	v36 =	vmul.u32 $0x240, v36;
	v37 =	vmul.u32 $0x18, v37;
	v60 =	vadd.s32 v6, v7;
	v6 =	vld [tilespmem:$0xF130]  }
0x13c: {  	v39 =	vmul.u32 $0x240, v39;
	v1 =	vadd.s32 v63, v1;
	v63 =	vmul.u32 $0x240, v12;
	v12 =	vld [tilespmem:$0xED40]  }
0x13d: {  	v40 =	vmul.u32 $0x18, v40;
	v42 =	vmul.u32 $0x240, v42;
	v3 =	vadd.s32 v3, v4;
	v4 =	vld [tilespmem:$0xF140]  }
0x13e: {  	v43 =	vmul.u32 $0x18, v43;
	v59 =	vadd.s32 v15, v16;
	v16 =	vld [tilespmem:$0xEF50];
	v1 =	vadd.s32 v2, v1  }
0x13f: {  	v15 =	vld [tilespmem:$0xEF60];
	v2 =	vadd.s32 v5, v3;
	v3 =	vadd.s32 v8, v60;
	v5 =	vadd.s32 v61, v62  }
0x140: {  	v60 =	vmul.u32 $0x240, v18;
	v61 =	vmul.u32 $0x18, v19;
	v62 =	vmul.u32 $0x240, v21;
	v21 =	vld [tilespmem:$0xF160]  }
0x141: {  	v8 =	vadd.s32 v17, v59;
	v17 =	vmul.u32 $0x240, v27;
	v18 =	vmul.u32 $0x18, v28;
	v28 =	vld [tilespmem:$0xED70]  }
0x142: {  	v59 =	vmul.u32 $0x240, v30;
	v19 =	vld [tilespmem:$0xF170];
	v7 =	vadd.s32 v63, v13;
	v63 =	vmul.u32 $0x18, v22  }
0x143: {  	v27 =	vld [tilespmem:$0xEF80];
	v5 =	vadd.s32 v11, v5;
	[tilespmem:$0xF220] =	vst v3;
	v3 =	vadd.s32 v36, v37;
	v36 =	vmul.u32 $0x18, v52  }
0x144: {  	v22 =	vld [tilespmem:$0xF150];
	v52 =	vmul.u32 $0x240, v9;
	v7 =	vadd.s32 v14, v7;
	v10 =	vadd.s32 v60, v61  }
0x145: {  	v11 =	vld [tilespmem:$0xED60];
	[tilespmem:$0xF200] =	vst v1;
	v14 =	vadd.s32 v24, v25;
	v60 =	vmul.u32 $0x18, v31;
	v61 =	vmul.u32 $0x240, v33  }
0x146: {  	v37 =	vld [tilespmem:$0xEDA0];
	v31 =	vadd.s32 v17, v18;
	[tilespmem:$0xF230] =	vst v5;
	v5 =	vadd.s32 v39, v40;
	v3 =	vadd.s32 v38, v3  }
0x147: {  	[tilespmem:$0xF210] =	vst v2;
	v24 =	vld [tilespmem:$0xED80];
	v13 =	vadd.s32 v62, v63;
	v62 =	vmul.u32 $0x18, v34;
	v63 =	vadd.s32 v20, v10  }
0x148: {  	[tilespmem:$0xF250] =	vst v8;
	v18 =	vld [tilespmem:$0xF180];
	v2 =	vadd.s32 v29, v31;
	v5 =	vadd.s32 v41, v5;
	v41 =	vmul.u32 $0x240, v54  }
0x149: {  	v40 =	vld [tilespmem:$0xEFA0];
	[tilespmem:$0xF240] =	vst v7;
	v30 =	vadd.s32 v23, v13;
	v13 =	vadd.s32 v26, v14;
	v33 =	vadd.s32 v59, v60  }
0x14a: {  	v20 =	vld [tilespmem:$0xED90];
	[tilespmem:$0xF260] =	vst v63;
	v63 =	vmul.u32 $0x18, v46;
	v12 =	vmul.u32 $0x240, v12;
	v34 =	vadd.s32 v61, v62  }
0x14b: {  	v31 =	vld [tilespmem:$0xF190];
	[tilespmem:$0xF2C0] =	vst v3;
	v59 =	vadd.s32 v32, v33;
	v61 =	vadd.s32 v42, v43;
	v62 =	vmul.u32 $0x240, v45  }
0x14c: {  	v54 =	vld [tilespmem:$0xEDC0];
	[tilespmem:$0xF290] =	vst v2;
	v33 =	vmul.u32 $0x240, v48;
	v42 =	vmul.u32 $0x18, v55;
	v43 =	vmul.u32 $0x240, v57  }
0x14d: {  	v14 =	vld [tilespmem:$0xEF70];
	[tilespmem:$0xF2D0] =	vst v5;
	v45 =	vmul.u32 $0x18, v56;
	v55 =	vmul.u32 $0x18, v15;
	v56 =	vmul.u32 $0x240, v28  }
0x14e: {  	v26 =	vld [tilespmem:$0xEF90];
	[tilespmem:$0xF270] =	vst v30;
	v29 =	vmul.u32 $0x18, v27;
	v60 =	vadd.s32 v35, v34;
	v34 =	vmul.u32 $0x18, v49  }
0x14f: {  	v46 =	vld [tilespmem:$0xEDB0];
	[tilespmem:$0xF280] =	vst v13;
	v35 =	vmul.u32 $0x240, v51;
	v8 =	vadd.s32 v44, v61;
	v44 =	vmul.u32 $0x18, v58  }
0x150: {  	v30 =	vld [tilespmem:$0xF1A0];
	[tilespmem:$0xF2A0] =	vst v59;
	v11 =	vmul.u32 $0x240, v11;
	v1 =	vadd.s32 v62, v63;
	v49 =	vadd.s32 v41, v42  }
0x151: {  	v48 =	vld [tilespmem:$0xEFB0];
	[tilespmem:$0xF2B0] =	vst v60;
	v12 =	vadd.s32 v12, v45;
	v28 =	vmul.u32 $0x240, v24;
	v38 =	vadd.s32 v33, v34  }
0x152: {  	v57 =	vld [tilespmem:$0xEFC0];
	[tilespmem:$0xF2E0] =	vst v8;
	v39 =	vadd.s32 v35, v36;
	v1 =	vadd.s32 v47, v1;
	v0 =	vadd.s32 v0, v49  }
0x153: {  	v51 =	vld [tilespmem:$0xF1B0];
	v4 =	vadd.s32 v4, v12;
	v32 =	vmul.u32 $0x240, v20;
	v36 =	vmul.u32 $0x240, v37;
	[tilespmem:$0xF2F0] =	vst v1  }
0x154: {  	v59 =	vld [tilespmem:$0xF1C0];
	v37 =	vmul.u32 $0x18, v40;
	v2 =	vadd.s32 v50, v38;
	v47 =	vadd.s32 v53, v39;
	[tilespmem:$0xF320] =	vst v0  }
0x155: {  	v62 =	vld [tilespmem:$0xEDD0];
	v50 =	vadd.s32 v43, v44;
	v53 =	vmul.u32 $0x18, v16;
	v14 =	vmul.u32 $0x18, v14;
	[tilespmem:$0xF340] =	vst v4  }
0x156: {  	v42 =	vld [tilespmem:$0xEDF0];
	v1 =	vadd.s32 v11, v55;
	v35 =	vmul.u32 $0x18, v26;
	v39 =	vadd.s32 v28, v29;
	[tilespmem:$0xF300] =	vst v2  }
0x157: {  	v45 =	vld [tilespmem:$0xEFF0];
	v40 =	vmul.u32 $0x240, v46;
	v46 =	vmul.u32 $0x240, v54;
	v58 =	vadd.s32 v6, v50;
	[tilespmem:$0xF310] =	vst v47  }
0x158: {  	v34 =	vld [tilespmem:$0xEDE0];
	v1 =	vadd.s32 v21, v1;
	v41 =	vmul.u32 $0x18, v48;
	v0 =	vadd.s32 v18, v39;
	[tilespmem:$0xF330] =	vst v58  }
0x159: {  	v38 =	vld [tilespmem:$0xEFE0];
	v44 =	vadd.s32 v36, v37;
	v47 =	vmul.u32 $0x18, v57;
	v60 =	vadd.s32 v52, v53;
	[tilespmem:$0xF360] =	vst v1  }
0x15a: {  	v61 =	vadd.s32 v56, v14;
	[tilespmem:$0xF380] =	vst v0;
	v50 =	vadd.s32 v30, v44;
	v63 =	vadd.s32 v22, v60;
	v22 =	vld [tilespmem:$0xEFD0]  }
0x15b: {  	v54 =	vld [tilespmem:$0xF1F0];
	v43 =	vadd.s32 v32, v35;
	v21 =	vadd.s32 v19, v61;
	v2 =	vadd.s32 v40, v41;
	[tilespmem:$0xF3A0] =	vst v50  }
0x15c: {  	v49 =	vadd.s32 v31, v43;
	v52 =	vadd.s32 v46, v47;
	[tilespmem:$0xF350] =	vst v63;
	v2 =	vadd.s32 v51, v2;
	v51 =	vld [tilespmem:$0xF1E0]  }
0x15d: {  	v48 =	vld [tilespmem:$0xF1D0];
	v58 =	vmul.u32 $0x240, v42;
	[tilespmem:$0xF370] =	vst v21;
	v0 =	vadd.s32 v59, v52;
	v59 =	vmul.u32 $0x18, v45  }
0x15e: {  	[tilespmem:$0xF390] =	vst v49;
	v55 =	vmul.u32 $0x240, v34;
	v56 =	vmul.u32 $0x18, v38  }
0x15f: {  	v53 =	vmul.u32 $0x240, v62;
	[tilespmem:$0xF3B0] =	vst v2;
	v62 =	vadd.s32 v58, v59;
	v6 =	vmul.u32 $0x18, v22  }
0x160: {  	[tilespmem:$0xF3C0] =	vst v0;
	v1 =	vadd.s32 v55, v56;
	v63 =	vadd.s32 v54, v62  }
0x161: {  	s14 =	rddreg [dreg:$0x1e];
	[tilespmem:$0xF3F0] =	vst v63;
	v61 =	vadd.s32 v51, v1;
	v57 =	vadd.s32 v53, v6  }
0x162: {  	s13 =	rddreg [dreg:$0x1a];
	[tilespmem:$0xF3E0] =	vst v61;
	v60 =	vadd.s32 v48, v57  }
0x163: {  	s5 =	rddreg [dreg:$0x1b];
	[tilespmem:$0xF3D0] =	vst v60  }
0x164: {  	[tilespmem:s24], [sflag:$0x4] =	stream.indirect.gather [hbm4b:s2+s17], $0x40, s16, s17, $0xb8;
	[tilespmem:$0x1D400] =	vst v63  }
0x165: {  	s12 =	rddreg [dreg:$0x1c]  }
0x166: {  	[tilespmem:s25], [sflag:$0x4] =	stream.indirect.gather [hbm4b:s4+s17], $0x30, s13, s17, $0xb8;
	[tilespmem:$0x1D400] =	vst v63  }
0x167: {  	s13 =	rddreg [dreg:$0x1d]  }
0x168: {  	[tilespmem:s12], [sflag:$0x4] =	stream.indirect.gather [hbm4b:s2+s17], $0x40, s5, s17, $0xb8;
	[tilespmem:$0x1D400] =	vst v63  }
0x169: {  	s5 =	rddreg [dreg:$0x1f]  }
0x16a: {  	s12 =	sld [smem:$0x7F7]  }
0x16b: {  	[tilespmem:s14], [sflag:$0x4] =	stream.indirect.gather [hbm4b:s4+s17], $0x30, s13, s17, $0xb8;
	[tilespmem:$0x1D400] =	vst v63  }
0x16c: {  	s13 =	sld [smem:$0x7F8]  }
0x16d: {  	s14 =	sld [smem:$0x7F9]  }
0x16e: {  	[tilespmem:s12], [sflag:$0x4] =	stream.indirect.gather [hbm4b:s2+s17], $0x40, s5, s17, $0xb8;
	[tilespmem:$0x1D400] =	vst v63  }
0x16f: {  	s5 =	sld [smem:$0x7FA]  }
0x170: {  	s12 =	sld [smem:$0x7FB]  }
0x171: {  	[tilespmem:s14], [sflag:$0x4] =	stream.indirect.gather [hbm4b:s4+s17], $0x30, s13, s17, $0xb8;
	[tilespmem:$0x1D400] =	vst v63  }
0x172: {  	s13 =	sld [smem:$0x7FC]  }
0x173: {  	s14 =	sld [smem:$0x7FD]  }
0x174: {  	[tilespmem:s12], [sflag:$0x4] =	stream.indirect.gather [hbm4b:s2+s17], $0x40, s5, s17, $0xb8;
	[tilespmem:$0x1D400] =	vst v63  }
0x175: {  	_ = 	snop  }
0x176: {  	[tilespmem:s14], [sflag:$0x4] =	stream.indirect.gather [hbm4b:s4+s17], $0x30, s13, s17, $0xb8;
	[tilespmem:$0x1D400] =	vst v63  }
0x177: {  	_ =	swait.ge [sflag:s26], $0x2000  }
0x178: {  	[sflag:s26] =	ssyncset.done $0x0  }
0x179: {  	[sflag:s26] =	ssyncadd.s32 $0xFFFFE000  }
0x17a: {  	_ =	swait.ge [sflag:s26], $0x1800  }
0x17b: {  	[sflag:s26] =	ssyncset.done $0x0  }
0x17c: {  	[sflag:s26] =	ssyncadd.s32 $0xFFFFE800  }
0x17d: {  	_ =	swait.ge [sflag:s26], $0x2000  }
0x17e: {  	[sflag:s26] =	ssyncset.done $0x0  }
0x17f: {  	[sflag:s26] =	ssyncadd.s32 $0xFFFFE000  }
0x180: {  	_ =	swait.ge [sflag:s26], $0x1800  }
0x181: {  	[sflag:s26] =	ssyncset.done $0x0  }
0x182: {  	[sflag:s26] =	ssyncadd.s32 $0xFFFFE800  }
0x183: {  	_ =	swait.ge [sflag:s26], $0x2000  }
0x184: {  	[sflag:s26] =	ssyncset.done $0x0  }
0x185: {  	[sflag:s26] =	ssyncadd.s32 $0xFFFFE000  }
0x186: {  	_ =	swait.ge [sflag:s26], $0x1800  }
0x187: {  	[sflag:s26] =	ssyncset.done $0x0  }
0x188: {  	[sflag:s26] =	ssyncadd.s32 $0xFFFFE800  }
0x189: {  	_ =	swait.ge [sflag:s26], $0x2000  }
0x18a: {  	[sflag:s26] =	ssyncset.done $0x0  }
0x18b: {  	[sflag:s26] =	ssyncadd.s32 $0xFFFFE000  }
0x18c: {  	s1 =	sadd.s32 $0x80, s1;
	_ =	swait.ge [sflag:s26], $0x1800  }
0x18d: {  	p0 =	sne.s32 s1, $0xC80;
	[sflag:s26] =	ssyncset.done $0x0  }
.Ltmp0:
0x18e: {  	s14 =	sadd.s32 $0xFFFFFFF8, s31;
	[sflag:s26] =	ssyncadd.s32 $0xFFFFE800;
	(pc) =	sbr.rel @p0 .LBB2_2-.Ltmp0, $4  }
0x18f: {  	[hbm4b:s14+s21] =	stream.strided.scatter [tilespmem:s24], [sflag:$0x6], $0x8000, s17, s21, $0x38;
	[tilespmem:$0x1D400] =	vst v63  }
0x190: {  	_ = 	snop  }
0x191: {  	[hbm4b:s31+s22] =	stream.strided.scatter [tilespmem:s25], [sflag:$0x6], $0x6000, s17, s22, $0x38;
	[tilespmem:$0x1D400] =	vst v63  }
0x192: {  	s10 =	sadd.s32 $0x4000, s10;
	s31 =	sadd.s32 $0x4000, s31  }
0x193: {  	_ =	swait.ge [sflag:s28], $0x8000  }
0x194: {  	[sflag:s28] =	ssyncset.done $0x0  }
0x195: {  	[sflag:s28] =	ssyncadd.s32 $0xFFFF8000  }
0x196: {  	_ =	swait.ge [sflag:s28], $0x6000  }
0x197: {  	[sflag:s28] =	ssyncset.done $0x0  }
0x198: {  	s30 =	sadd.s32 $0x1, s30;
	[sflag:s28] =	ssyncadd.s32 $0xFFFFA000  }
0x199: {  	p0 =	sne.s32 s30, s9;
	_ =	swait.ge [sflag:s29], $0x8000  }
.Ltmp1:
0x19a: {  	[sflag:s29] =	ssyncset.done $0x0;
	(pc) =	sbr.rel @p0 .LBB2_1-.Ltmp1, $4  }
0x19b: {  	[sflag:s29] =	ssyncadd.s32 $0xFFFF8000  }
0x19c: {  	_ =	swait.ge [sflag:s29], $0x6000  }
0x19d: {  	[sflag:s29] =	ssyncset.done $0x0  }
0x19e: {  	[sflag:s29] =	ssyncadd.s32 $0xFFFFA000  }
0x19f: {  	_ =	sfence.sel $0x180000  }
0x1a0: {  	[bflag:$0x0] =	sbarrier.arrive $0xFFFF  }
0x1a1: {  	_ =	strace $0x90000047  }
0x1a2: {  	s0 =	stileid.u32;
	[bflag:$0x2] =	sbarrier.arrive $0xFFFF  }
0x1a3: {  	p0 =	sne.s32 s0, $0x0;
	s0 =	rddreg [dreg:$0x2]  }
0x1a4: {  	s0 =	sadd.s32 @!p0 $0x100000, s0  }
0x1a5: {  	[sflag:s0] =	ssyncadd.tile.s32 @!p0 $0x1;
	_ =	shalt  }
.Lfunc_end2:
_tile_overlayer_lowered:
.L_overlay_start_2:
0x1a6: {  	(tag) =	ssettag $0x2  }
0x1a7: {  	s0 =	rddreg [dreg:$0x0];
	s2 =	stileid.u32  }
0x1a8: {  	s1 =	rddreg [dreg:$0x1];
	p0 =	sne.s32 s2, $0x0  }
0x1a9: {  	s3 =	rddreg [dreg:$0x2];
	[bflag:$0x3] =	sbarrier.arrive $0xFFFF;
	s2 =	simm.s32 @!p0 $0x1C07  }
0x1aa: {  	[timem:s3], [sflag:s2] =	dma.local @!p0 [hbm:s0], s1  }
0x1ab: {  	s0 =	simm.s32 @!p0 $0x7  }
0x1ac: {  	_ =	swait.ge @!p0 [sflag:s0], s1  }
0x1ad: {  	s1 =	ssub.s32 @!p0 $0x0, s1;
	[sflag:s0] =	ssyncset.done @!p0 $0x0  }
0x1ae: {  	[sflag:s0] =	ssyncadd.s32 @!p0 s1  }
0x1af: {  	[bflag:$0x3] =	sbarrier.arrive $0xFFFF  }
0x1b0: {  	_ =	shalt  }

// kernel: sparse-core-data-format-call.cloned.1.call-start
scs
called_computation_lowered:
.L_overlay_start_0:
0x0: {  	s2 =	sld [smem:$0x3FD9]  }
0x1: {  	s3 =	sld [smem:$0x3FFE];
	_ =	sdelay $0x1  }
0x2: {  	s1 =	srdreg.scid  }
0x3: {  	s0 =	sand.u32 $0x1, s1  }
0x4: {  	s18 =	sshll.u32 s0, $0xA;
	s2 =	sadd.s32 s3, s2  }
0x5: {  	s2 =	sadd.s32 s2, s18  }
0x6: {  	[smem:$0x3FC0] =	sst s2  }
0x7: {  	_ = 	snop  }
0x8: {  	s2 =	sld [smem:$0x3FD0];
	(tm) =	ssettm $0x1  }
0x9: {  	s19 =	sld [smem:$0x3FFB];
	_ =	sdelay $0x3  }
0xa: {  	_ =	strace s19  }
0xb: {  	s3 =	sld [smem:$0x3FFC];
	_ =	sdelay $0x3  }
0xc: {  	_ =	strace s3  }
0xd: {  	s3 =	sld [smem:$0x3FFD];
	_ =	sdelay $0x3  }
0xe: {  	_ =	strace s3  }
0xf: {  	_ =	strace $0x8FFFFFFF  }
0x10: {  	s20 =	sld [smem:$0x3FDB];
	_ =	sdelay $0x1  }
0x11: {  	s4 =	simm.s32 $_scs_section_size  }
0x12: {  	s5 =	simm.s32 $_size__tile_overlayer_lowered;
	s6 =	simm.s32 $_tile_overlayer_lowered  }
0x13: {  	s23 =	simm.s32 $0x1BFF;
	s22 =	sshll.u32 s6, $0x1;
	s3 =	sadd.s32 s4, s20  }
0x14: {  	s7 =	simm.s32 $0x0;
	s21 =	sshll.u32 s5, $0x1;
	s5 =	sadd.s32 s22, s3  }
0x15: {  	[timem:s7], [sflag:s23] =	dma.local [hbm:s5], s21  }
0x16: {  	_ =	swait.ge [sflag:s23], s21  }
0x17: {  	s4 =	ssub.s32 $0x0, s21;
	[sflag:s23] =	ssyncset.done $0x0  }
0x18: {  	[sflag:s23] =	ssyncadd.s32 s4;
	_ =	sdelay $0x1  }
0x19: {  	s24 =	simm.s32 $0x1B8B  }
0x1a: {  	_ =	swait.ge [sflag:s24], $0x1  }
0x1b: {  	[sflag:s24] =	ssyncset.done $0x0  }
0x1c: {  	s26 =	simm.s32 $0x1B8E;
	s25 =	sld [smem:$0x3FFE];
	[sflag:s24] =	ssyncadd.s32 $0xFFFFFFFF  }
0x1d: {  	s27 =	simm.s32 $execute0_lowered;
	[smem:$0x3FD2] =	sst s26  }
0x1e: {  	s5 =	sshll.u32 s27, $0x1;
	_ =	strace $0x80000049;
	[dreg:$0x1] =	wrdreg $0xFFFFFFFF  }
0x1f: {  	s28 =	simm.s32 $_size_execute0_lowered;
	s3 =	sadd.s32 s3, s5;
	[dreg:$0x0] =	wrdreg $0x0  }
0x20: {  	s5 =	sshll.u32 s28, $0x1;
	[dreg:$0x2] =	wrdreg s3  }
0x21: {  	[dreg:$0x3] =	wrdreg s5  }
0x22: {  	[dreg:$0x4] =	wrdreg $0xC0  }
0x23: {  	_ =	task [dreg:s7], $0x5FFFF  }
0x24: {  	[dreg:$0x1] =	wrdreg $0xFFFFFFFF  }
0x25: {  	[dreg:$0x0] =	wrdreg $0x60  }
0x26: {  	[dreg:$0x2] =	wrdreg s25  }
0x27: {  	[dreg:$0x3] =	wrdreg s2  }
0x28: {  	[dreg:$0x4] =	wrdreg $0x9  }
0x29: {  	_ =	task.clear_ibuf [dreg:s7], $0x5FFFF;
	_ =	strace $0x90000049  }
0x2a: {  	s29 =	simm.s32 $0x9;
	_ =	strace $0x8000004B  }
0x2b: {  	_ =	swait.ge [sflag:s29], $0x1  }
0x2c: {  	[sflag:s29] =	ssyncadd.s32 $0xFFFFFFFF  }
0x2d: {  	_ =	strace $0x9000004B  }
0x2e: {  	_ =	sfence  }
0x2f: {  	s30 =	sld [smem:$0x0];
	_ =	sdelay $0x2  }
0x30: {  	s31 =	sshll.u32 s1, $0xD;
	s1 =	sshrl.u32 s1, $0x2  }
0x31: {  	s3 =	sand.u32 $0x4000, s31;
	s1 =	sadd.s32 s1, s30  }
0x32: {  	s0 =	sor.u32 s3, s0;
	s1 =	sshll.u32 s1, $0x11  }
0x33: {  	s0 =	sor.u32 s1, s0  }
0x34: {  	s0 =	sadd.s32 $0x8F2B, s0  }
0x35: {  	[sflag:s0] =	ssyncadd.remote.s32 $0x1  }
0x36: {  	_ =	sfence.sel $0xFFFF  }
0x37: {  	[dreg:$0x0] =	wrdreg $0xFFFFFFFF;
	(pc) =	sbr.abs _section_cstart, $3  }
0x38: {  	[dreg:$0x1] =	wrdreg $0xFFFFFFFF  }
0x39: {  	_ =	task.clear_ibuf [dreg:s7], $0x2FFFF;
	_ =	strace $0x9FFFFFFF  }
0x3a: {  	(tm) =	ssettm $0x7FFFFFFF  }
0x3b: {  	_ =	shalt  }
tec
execute0_lowered:
.L_overlay_start_1:
0x0: {  	(tag) =	ssettag $0x1  }
0x1: {  	s0 =	srdreg.scid  }
0x2: {  	s1 =	sshll.u32 s0, $0x4  }
0x3: {  	s6 =	rddreg [dreg:$0x0];
	s0 =	stileid.u32;
	s1 =	sand.u32 $0x10, s1  }
0x4: {  	s3 =	rddreg [dreg:$0x1];
	s1 =	sor.u32 s0, s1  }
0x5: {  	s5 =	simm.s32 $0x1;
	s31 =	simm.s32 $0x2;
	s2 =	sshll.u32 s1, $0x7  }
0x6: {  	s15 =	simm.s32 $0x0;
	s8 =	simm.s32 $0x8000;
	s4 =	ssub.s32 $0x1000, s2  }
0x7: {  	s14 =	simm.s32 $0x0;
	s9 =	simm.s32 $0x0;
	s30 =	sand.u32 $0xF80, s4  }
0x8: {  	s10 =	simm.s32 $0x0;
	s11 =	simm.s32 $0x0;
	p0 =	sne.s32 s30, $0x0  }
.Ltmp0:
0x9: {  	s7 =	sshrl.u32 s4, $0xC;
	s5 =	simm.s32 @!p0 $0x0;
	(pc) =	sbr.rel .LBB1_1-.Ltmp0, $4  }
0xa: {  	s13 =	simm.s32 $0x0;
	s1 =	rddreg [dreg:$0x2];
	s5 =	sadd.s32 s5, s7  }
0xb: {  	_ =	strace $0x8000004A;
	s4 =	simm.s32 $0x1;
	s5 =	smul.u32 $0xC8, s5  }
0xc: {  	s6 =	sadd.s32 $0x6B200, s6;
	s12 =	smov.u32 s2;
	[sflag:s4] =	ssyncpa.u1 $0x0  }
0xd: {  	[sflag:s31] =	ssyncpa.u1 $0x0;
	p0 =	por $0x0, $0x0;
	s7 =	sor.u32 $0x1, s5  }
.LBB1_4:
0xe: {  	s20 =	sshra.s32 s20, $0x2;
	s28 =	sshll.u32 s10, $0x3;
	p1 =	sgt.s32 s9, $0xC7  }
0xf: {  	s21 =	smov.u32 s9;
	s23 =	sshra.s32 s9, $0x1F;
	s24 =	smov.u32 s10  }
0x10: {  	v5 =	vld [tilespmem:s17+$0xFFFFFFD0];
	[tilespmem:s18+$0x2040 ss:$0x81] =	vst.msk $0xffff, v4;
	s25 =	sshra.s32 s10, $0x1F;
	s26 =	sand.u32 $0x78, s10;
	s19 =	sadd.s32 s20, s19  }
0x11: {  	v58 =	vld [tilespmem:s17+$0xFFFFFFE0];
	[tilespmem:s18+$0x2850 ss:$0x81] =	vst.msk $0xffff, v3;
	s22 =	sshrl.u32 s28, $0xC;
	s21 =	simm.s32 @!p1 $0xC7;
	s23 =	sand.u32 s23, s9  }
0x12: {  	v59 =	vld [tilespmem:s17+$0xFFFFFFF0];
	[tilespmem:s18+$0x3060 ss:$0x81] =	vst.msk $0xffff, v2;
	p1 =	sgt.s32 s10, $0xF80;
	s29 =	sand.u32 s25, s10;
	s20 =	sand.u32 $0xC00, s28  }
0x13: {  	v60 =	vld [tilespmem:s17+$0x0];
	[tilespmem:s18+$0x0 ss:$0x81] =	vst.msk $0xffff, v0;
	s28 =	smul.u32 $0xE000, s9;
	s21 =	ssub.s32 s21, s23;
	s24 =	simm.s32 @!p1 $0xF80  }
0x14: {  	v61 =	vld [tilespmem:s17+$0x10];
	s30 =	smulhi.u32 $0x2492493, s22;
	[tilespmem:s19+$0x3870 ss:$0x81] =	vst.msk $0xffff, v1;
	s20 =	sor.u32 s26, s20;
	s31 =	ssub.s32 $0xC8, s21  }
0x15: {  	v62 =	vld [tilespmem:s17+$0x20];
	s23 =	ssub.s32 s24, s29;
	s21 =	sadd.s32 $0xFFFFFF39, s21;
	s25 =	smul.u32 $0x70, s31;
	[tilespmem:s19+$0x810 ss:$0x81] =	vst.msk $0xffff, v5  }
0x16: {  	v63 =	vld [tilespmem:s17+$0xFFFFFFC0];
	s18 =	smul.u32 $0x70, s30;
	p1 =	sgt.s32 s21, $0x0;
	s27 =	sadd.s32 $0xFFFFF080, s23;
	[tilespmem:s19+$0x1020 ss:$0x81] =	vst.msk $0xffff, v58  }
0x17: {  	s17 =	ssub.s32 $0x1000, s23;
	[tilespmem:s19+$0x1830 ss:$0x81] =	vst.msk $0xffff, v59;
	s25 =	simm.s32 @p1 $0x0;
	p1 =	sgt.s32 s27, $0x7F  }
0x18: {  	s29 =	sand.u32 $0x7, s10;
	[tilespmem:s19+$0x2040 ss:$0x81] =	vst.msk $0xffff, v60;
	s18 =	ssub.s32 s22, s18;
	s17 =	simm.s32 @p1 $0x0  }
0x19: {  	s21 =	sadd.s32 s3, s28;
	[tilespmem:s19+$0x2850 ss:$0x81] =	vst.msk $0xffff, v61;
	s18 =	sshll.u32 s18, $0x9;
	s17 =	smul.u32 s17, s25  }
0x1a: {  	s20 =	sshrl.u32 s20, $0x3;
	s30 =	sshll.u32 s29, $0x12;
	[tilespmem:s19+$0x3060 ss:$0x81] =	vst.msk $0xffff, v62;
	s18 =	sadd.s32 s18, s21  }
0x1b: {  	[tilespmem:s19+$0x0 ss:$0x81] =	vst.msk $0xffff, v63;
	s31 =	sor.u32 $0x400, s30;
	s18 =	sadd.s32 s20, s18;
	s17 =	sand.u32 $0x3FFFFFF0, s17  }
0x1c: {  	[hbm4b:s18+s31] =	stream.strided.scatter [tilespmem:s16], [sflag:$0x2], s17, s8, s31, $0x20;
	[tilespmem:$0x10100] =	vst v63  }
.LBB1_5:
0x1d: {  	p1 =	slt.u32 s13, $0x2  }
0x1e: {  	s17 =	smov.u32 s15;
	p2 =	sgt.s32 @!p1 s15, $0xC7;
	s16 =	sshra.s32 @!p1 s15, $0x1F  }
0x1f: {  	p3 =	sgt.s32 @!p1 s14, $0xF80;
	s18 =	sshra.s32 @!p1 s14, $0x1F;
	p2 =	por !p2, p1  }
0x20: {  	s15 =	sand.u32 @!p1 s16, s15;
	p3 =	por !p3, p1;
	s16 =	smov.u32 s14  }
0x21: {  	s14 =	sand.u32 @!p1 s18, s14;
	s17 =	simm.s32 @p2 $0xC7;
	s16 =	simm.s32 @p3 $0xF80  }
0x22: {  	s18 =	smov.u32 s12;
	s15 =	ssub.s32 @!p1 s17, s15;
	s14 =	ssub.s32 @!p1 s16, s14  }
0x23: {  	s16 =	sadd.s32 @!p1 $0xFFFFFF39, s15;
	s15 =	ssub.s32 @!p1 $0xC8, s15;
	s17 =	sadd.s32 @!p1 $0xFFFFF080, s14  }
0x24: {  	p2 =	sgt.s32 @!p1 s16, $0x0;
	s15 =	smul.u32 @!p1 $0x70, s15;
	p3 =	sgt.s32 @!p1 s17, $0x7F  }
0x25: {  	s14 =	ssub.s32 @!p1 $0x1000, s14;
	p2 =	por !p2, p1;
	p3 =	por !p3, p1  }
0x26: {  	s16 =	sadd.s32 $0x1, s11;
	s15 =	simm.s32 @!p2 $0x0;
	s14 =	simm.s32 @!p3 $0x0  }
0x27: {  	p2 =	sgt.s32 s16, $0xC7;
	s14 =	smul.u32 @!p1 s14, s15;
	s15 =	sadd.s32 $0x1000, s12  }
0x28: {  	s18 =	smov.u32 @p2 s15  }
0x29: {  	s16 =	simm.s32 @p2 $0x0;
	p2 =	sgt.s32 s18, $0xFFF  }
0x2a: {  	s18 =	smov.u32 @p2 s2;
	p2 =	sne.s32 s13, s7  }
.Ltmp1:
0x2b: {  	p0 =	por !p0, !p0;
	s17 =	simm.s32 @!p1 $0x2;
	(pc) =	sbr.rel @!p2 .LBB1_6-.Ltmp1, $4  }
0x2c: {  	s15 =	smov.u32 s9;
	s9 =	smov.u32 s11;
	s14 =	sand.u32 @!p1 $0x3FFFFFF0, s14  }
0x2d: {  	s11 =	smov.u32 s16;
	_ =	swait.ge @!p1 [sflag:s17], s14;
	s19 =	ssub.s32 @!p1 $0x0, s14  }
0x2e: {  	s14 =	smov.u32 s10;
	s13 =	sadd.s32 $0x1, s13;
	[sflag:s17] =	ssyncset.done @!p1 $0x0  }
0x2f: {  	s10 =	smov.u32 s12;
	s12 =	smov.u32 s18;
	[sflag:s17] =	ssyncadd.s32 @!p1 s19  }
.LBB1_1:
0x30: {  	p1 =	sge.u32 s13, s5  }
0x31: {  	s16 =	sand.u32 @!p1 $0x1FFFFFF, s11  }
0x32: {  	s17 =	smulhi.u32 @!p1 $0x147AE15, s16;
	_ =	sdelay $0x1  }
0x33: {  	s17 =	smul.u32 @!p1 $0xC8, s17  }
0x34: {  	s18 =	sxor.u32 @!p1 $0xFFFFFFFF, s13;
	s19 =	smul.u32 @!p1 $0xC80, s12  }
0x35: {  	s31 =	sadd.s32 $0xFFFFFFFF, s13;
	s18 =	sshll.u32 @!p1 s18, $0xE;
	s16 =	ssub.s32 @!p1 s16, s17  }
0x36: {  	s17 =	sand.u32 @!p1 $0x4000, s18;
	s18 =	sadd.s32 @!p1 s6, s19;
	s16 =	sshll.u32 @!p1 s16, $0x4  }
0x37: {  	s19 =	simm.s32 @!p1 $0x6400;
	s16 =	sadd.s32 @!p1 s16, s18;
	s18 =	simm.s32 @!p1 $0x80  }
0x38: {  	[tilespmem:s17], [sflag:$0x1] =	stream.strided.gather @!p1 [hbm4b:s16+s18], $0x4000, s19, s18, $0x38;
	[tilespmem:$0x10100] =	vst v63  }
0x39: {  	p1 =	sge.u32 s31, s5  }
.Ltmp2:
0x3a: {  	_ = 	snop;
	(pc) =	sbr.rel @p1 .LBB1_5-.Ltmp2, $1  }
0x3b: {  	_ =	sdelay $0x3  }
0x3c: {  	s16 =	simm.s32 $0x1  }
0x3d: {  	_ =	swait.ge [sflag:s4], $0x4000;
	s16 =	simm.s32 @!p0 $0x0  }
0x3e: {  	[sflag:s4] =	ssyncset.done $0x0;
	s17 =	sshll.u32 s16, $0xE  }
0x3f: {  	[sflag:s4] =	ssyncadd.s32 $0xFFFFC000;
	s17 =	sor.u32 $0x40, s17  }
0x40: {  	s16 =	smul.u32 $0x10200, s16;
	v0 =	vld [tilespmem:s17+$0x30]  }
0x41: {  	v1 =	vld [tilespmem:s17+$0xFFFFFFD0]  }
0x42: {  	s16 =	sshrl.u32 s16, $0x2;
	v5 =	vld [tilespmem:s17+$0xFFFFFFE0]  }
0x43: {  	v6 =	vld [tilespmem:s17+$0xFFFFFFF0];
	s19 =	sor.u32 $0x8000, s16  }
0x44: {  	s31 =	sand.u32 $0x1, s13;
	v4 =	vld [tilespmem:s17+$0x0];
	s18 =	sadd.s32 $0x0, s19  }
0x45: {  	v3 =	vld [tilespmem:s17+$0x10];
	s16 =	smul.u32 $0x10200, s31;
	[tilespmem:s18+$0x3870 ss:$0x81] =	vst.msk $0xffff, v0  }
0x46: {  	v2 =	vld [tilespmem:s17+$0x20];
	[tilespmem:s18+$0x810 ss:$0x81] =	vst.msk $0xffff, v1  }
0x47: {  	s16 =	sshrl.u32 s16, $0x2;
	v0 =	vld [tilespmem:s17+$0xFFFFFFC0];
	[tilespmem:s18+$0x1020 ss:$0x81] =	vst.msk $0xffff, v5;
	s17 =	sadd.s32 $0x80, s17  }
0x48: {  	s20 =	simm.s32 $0x4;
	s21 =	simm.s32 $0x8;
	s16 =	sor.u32 $0x8000, s16;
	[tilespmem:s18+$0x1830 ss:$0x81] =	vst.msk $0xffff, v6;
	v1 =	vld [tilespmem:s17+$0x30]  }
.LBB1_3:
0x49: {  	p1 =	sne.s32 s21, $0x1FC;
	v5 =	vld [tilespmem:s17+$0xFFFFFFD0];
	[tilespmem:s18+$0x2040 ss:$0x81] =	vst.msk $0xffff, v4  }
0x4a: {  	v6 =	vld [tilespmem:s17+$0xFFFFFFE0];
	[tilespmem:s18+$0x2850 ss:$0x81] =	vst.msk $0xffff, v3  }
0x4b: {  	s22 =	sshra.s32 s20, $0x2;
	s20 =	smov.u32 s21;
	v7 =	vld [tilespmem:s17+$0xFFFFFFF0];
	[tilespmem:s18+$0x3060 ss:$0x81] =	vst.msk $0xffff, v2  }
.Ltmp3:
0x4c: {  	v4 =	vld [tilespmem:s17+$0x0];
	[tilespmem:s18+$0x0 ss:$0x81] =	vst.msk $0xffff, v0;
	s18 =	sadd.s32 s22, s19;
	(pc) =	sbr.rel @p1 .LBB1_3-.Ltmp3, $4  }
0x4d: {  	v3 =	vld [tilespmem:s17+$0x10];
	[tilespmem:s18+$0x3870 ss:$0x81] =	vst.msk $0xffff, v1  }
0x4e: {  	[tilespmem:s18+$0x810 ss:$0x81] =	vst.msk $0xffff, v5;
	v2 =	vld [tilespmem:s17+$0x20]  }
0x4f: {  	v0 =	vld [tilespmem:s17+$0xFFFFFFC0];
	[tilespmem:s18+$0x1020 ss:$0x81] =	vst.msk $0xffff, v6;
	s17 =	sadd.s32 $0x80, s17  }
0x50: {  	s21 =	sadd.s32 $0x4, s21;
	v1 =	vld [tilespmem:s17+$0x30];
	[tilespmem:s18+$0x1830 ss:$0x81] =	vst.msk $0xffff, v7  }
.Ltmp4:
0x51: {  	_ = 	snop;
	(pc) =	sbr.rel .LBB1_4-.Ltmp4, $1  }
0x52: {  	_ =	sdelay $0x3  }
.LBB1_6:
0x53: {  	_ =	sfence.sel $0x180000  }
0x54: {  	s2 =	simm.s32 $0x1;
	[bflag:$0x0] =	sbarrier.arrive $0xFFFF  }
0x55: {  	s31 =	simm.s32 $0x2;
	[sflag:s2] =	ssyncpa.u1 $0x1  }
0x56: {  	[sflag:s31] =	ssyncpa.u1 $0x1  }
0x57: {  	p0 =	sne.s32 s0, $0x0;
	_ =	strace $0x9000004A  }
0x58: {  	s0 =	sadd.s32 @!p0 $0x100000, s1;
	[bflag:$0x2] =	sbarrier.arrive $0xFFFF  }
0x59: {  	[sflag:s0] =	ssyncadd.tile.s32 @!p0 $0x1;
	_ =	shalt  }
.Lfunc_end1:
_tile_overlayer_lowered:
.L_overlay_start_2:
0x5a: {  	(tag) =	ssettag $0x2  }
0x5b: {  	s0 =	rddreg [dreg:$0x0];
	s2 =	stileid.u32  }
0x5c: {  	s1 =	rddreg [dreg:$0x1];
	p0 =	sne.s32 s2, $0x0  }
0x5d: {  	s3 =	rddreg [dreg:$0x2];
	[bflag:$0x3] =	sbarrier.arrive $0xFFFF;
	s2 =	simm.s32 @!p0 $0x1C01  }
0x5e: {  	[timem:s3], [sflag:s2] =	dma.local @!p0 [hbm:s0], s1  }
0x5f: {  	s0 =	simm.s32 @!p0 $0x1  }
0x60: {  	_ =	swait.ge @!p0 [sflag:s0], s1  }
0x61: {  	s1 =	ssub.s32 @!p0 $0x0, s1;
	[sflag:s0] =	ssyncset.done @!p0 $0x0  }
0x62: {  	[sflag:s0] =	ssyncadd.s32 @!p0 s1  }
0x63: {  	[bflag:$0x3] =	sbarrier.arrive $0xFFFF  }
0x64: {  	_ =	shalt  }

</sc_bundles>
